<compile_context>
chip_gen: v7x
topology: tpu7x:2x2x1
jax: 0.10.2.dev20260603
libtpu: 0.0.44.dev20260713+nightly
codegen_flags: <defaults>
</compile_context>

<pallas_src>
import jax
import jax.numpy as jnp
import numpy as np
from jax import lax
from jax.experimental import pallas as pl
from jax.experimental.pallas import tpu as pltpu

N = 12000
C = 64
K = 1024
S = 16
NX, NY, NZ = 432, 496, 1
VX, VY, VZ = 0.16, 0.16, 4.0
X_OFF, Y_OFF, Z_OFF = 0.08 + 0.0, 0.08 - 39.68, 2.0 - 3.0
R2 = 1.2 ** 2
NPAD = 12032
NROWS = NPAD // 128
NPAD_ATT = 12288
BLK_ATT = 1536
KBLK = 128
BIGI = (1 << 30)


def _fps_kernel(xs_ref, ys_ref, zs_ref, xsm_ref, ysm_ref, zsm_ref, out_ref):
    flat = (lax.broadcasted_iota(jnp.int32, (NROWS, 128), 0) * 128
            + lax.broadcasted_iota(jnp.int32, (NROWS, 128), 1))
    dists0 = jnp.where(flat < N, jnp.float32(1e10), jnp.float32(-1.0))

    def body(i, carry):
        dists, far = carry
        out_ref[i] = far
        xf = xsm_ref[far]
        yf = ysm_ref[far]
        zf = zsm_ref[far]
        dx = xs_ref[...] - xf
        dy = ys_ref[...] - yf
        dz = zs_ref[...] - zf
        d = (dx * dx + dy * dy) + dz * dz
        dists = jnp.minimum(dists, d)
        m = jnp.max(dists, keepdims=True)
        far2 = jnp.min(jnp.where(dists >= m, flat, BIGI))
        return dists, far2

    lax.fori_loop(0, 128, body, (dists0, jnp.int32(0)))


def _knn_kernel(kpc_ref, px_ref, py_ref, pz_ref, nbr_ref, nbd_ref):
    kb = kpc_ref[...]
    dx = kb[:, 0:1] - px_ref[0:1, :]
    dy = kb[:, 1:2] - py_ref[0:1, :]
    dz = kb[:, 2:3] - pz_ref[0:1, :]
    d2 = (dx * dx + dy * dy) + dz * dz
    li = lax.broadcasted_iota(jnp.int32, (KBLK, NPAD), 1)
    d2v = jnp.where(li < N, d2, jnp.float32(3.0e38))
    for s in range(S):
        m = jnp.min(d2v, axis=1, keepdims=True)
        im = jnp.min(jnp.where(d2v <= m, li, BIGI), axis=1, keepdims=True)
        nbr_ref[:, s:s + 1] = im
        nbd_ref[:, s:s + 1] = m
        d2v = jnp.where(li == im, jnp.float32(3.0e38), d2v)


def _mlp_kernel(g_ref, nbd_ref, w1_ref, b1_ref, w2_ref, b2_ref, out_ref):
    w1 = w1_ref[...]
    w2 = w2_ref[...]
    b1 = b1_ref[0:1, 0:C]
    b2 = b2_ref[0:1, 0:C]
    acc = None
    for s in range(S):
        gs = g_ref[s]
        h = jnp.maximum(
            jnp.dot(gs, w1, preferred_element_type=jnp.float32) + b1, 0.0)
        h2 = jnp.maximum(
            jnp.dot(h, w2, preferred_element_type=jnp.float32) + b2, 0.0)
        msk = (nbd_ref[:, s:s + 1] <= R2).astype(jnp.float32)
        v = h2 * msk
        acc = v if acc is None else jnp.maximum(acc, v)
    out_ref[...] = acc


def _softmax_rows(x):
    m = jnp.max(x, axis=-1, keepdims=True)
    e = jnp.exp(x - m)
    return e / jnp.sum(e, axis=-1, keepdims=True)


def _nt(a, b):
    return lax.dot_general(a, b, (((1,), (1,)), ((), ())),
                           preferred_element_type=jnp.float32)


def _sa_self_kernel(x_ref, wq_ref, wk_ref, wv_ref, wo_ref, out_ref):
    x = x_ref[...]
    q = jnp.dot(x, wq_ref[...], preferred_element_type=jnp.float32)
    k = jnp.dot(x, wk_ref[...], preferred_element_type=jnp.float32)
    v = jnp.dot(x, wv_ref[...], preferred_element_type=jnp.float32)
    attn = _softmax_rows(_nt(q, k) / 8.0)
    ctx = jnp.dot(attn, v, preferred_element_type=jnp.float32)
    out_ref[...] = x + jnp.dot(ctx, wo_ref[...],
                               preferred_element_type=jnp.float32)


def _cross_kernel(p_ref, y_ref,
                  w1q_ref, w1k_ref, w1v_ref, w1o_ref,
                  w2q_ref, w2k_ref, w2v_ref, w2o_ref, out_ref):
    y = y_ref[...]
    x = p_ref[...]
    for wq, wk, wv, wo in ((w1q_ref, w1k_ref, w1v_ref, w1o_ref),
                           (w2q_ref, w2k_ref, w2v_ref, w2o_ref)):
        q = jnp.dot(x, wq[...], preferred_element_type=jnp.float32)
        k = jnp.dot(y, wk[...], preferred_element_type=jnp.float32)
        v = jnp.dot(y, wv[...], preferred_element_type=jnp.float32)
        attn = _softmax_rows(_nt(q, k) / 8.0)
        ctx = jnp.dot(attn, v, preferred_element_type=jnp.float32)
        x = x + jnp.dot(ctx, wo[...], preferred_element_type=jnp.float32)
    out_ref[...] = x


def kernel(pillar_features, voxel_coords, batch_size, mlp_w1, mlp_b1, mlp_w2,
           mlp_b2, sa0_wq, sa0_wk, sa0_wv, sa0_wo, sa1_wq, sa1_wk, sa1_wv,
           sa1_wo, sa2_wq, sa2_wk, sa2_wv, sa2_wo):
    coords = voxel_coords
    pcx = coords[:, 3].astype(jnp.float32) * VX + X_OFF
    pcy = coords[:, 2].astype(jnp.float32) * VY + Y_OFF
    pcz = coords[:, 1].astype(jnp.float32) * VZ + Z_OFF
    pc = jnp.stack([pcx, pcy, pcz], axis=1)

    pad1 = NPAD - N
    xs = jnp.pad(pcx, (0, pad1)).reshape(NROWS, 128)
    ys = jnp.pad(pcy, (0, pad1)).reshape(NROWS, 128)
    zs = jnp.pad(pcz, (0, pad1)).reshape(NROWS, 128)

    kp_idx = pl.pallas_call(
        _fps_kernel,
        in_specs=[pl.BlockSpec(memory_space=pltpu.VMEM)] * 3 +
                 [pl.BlockSpec(memory_space=pltpu.SMEM)] * 3,
        out_specs=pl.BlockSpec(memory_space=pltpu.SMEM),
        out_shape=jax.ShapeDtypeStruct((K,), jnp.int32),
    )(xs, ys, zs, jnp.pad(pcx, (0, pad1)), jnp.pad(pcy, (0, pad1)),
      jnp.pad(pcz, (0, pad1)))

    kp = jnp.take(pc, kp_idx, axis=0)
    kpc = jnp.pad(kp, ((0, 0), (0, 128 - 3)))
    rowx = jnp.broadcast_to(jnp.pad(pcx, (0, pad1))[None, :], (8, NPAD))
    rowy = jnp.broadcast_to(jnp.pad(pcy, (0, pad1))[None, :], (8, NPAD))
    rowz = jnp.broadcast_to(jnp.pad(pcz, (0, pad1))[None, :], (8, NPAD))

    nbr_full, nbd_full = pl.pallas_call(
        _knn_kernel,
        grid=(K // KBLK,),
        in_specs=[
            pl.BlockSpec((KBLK, 128), lambda i: (i, 0)),
            pl.BlockSpec((8, NPAD), lambda i: (0, 0)),
            pl.BlockSpec((8, NPAD), lambda i: (0, 0)),
            pl.BlockSpec((8, NPAD), lambda i: (0, 0)),
        ],
        out_specs=[
            pl.BlockSpec((KBLK, 128), lambda i: (i, 0)),
            pl.BlockSpec((KBLK, 128), lambda i: (i, 0)),
        ],
        out_shape=[
            jax.ShapeDtypeStruct((K, 128), jnp.int32),
            jax.ShapeDtypeStruct((K, 128), jnp.float32),
        ],
    )(kpc, rowx, rowy, rowz)
    nbr = nbr_full[:, :S]

    grouped_xyz = jnp.take(pc, nbr.reshape(-1), axis=0).reshape(K, S, 3) \
        - kp[:, None, :]
    grouped_feat = jnp.take(pillar_features, nbr.reshape(-1),
                            axis=0).reshape(K, S, C)
    g = jnp.concatenate([grouped_xyz, grouped_feat], axis=-1)
    g = jnp.pad(g, ((0, 0), (0, 0), (0, 128 - (C + 3))))
    g = jnp.transpose(g, (1, 0, 2))

    w1p = jnp.pad(mlp_w1, ((0, 128 - (C + 3)), (0, 0)))
    b1p = jnp.zeros((8, 128), jnp.float32).at[0, :C].set(mlp_b1)
    b2p = jnp.zeros((8, 128), jnp.float32).at[0, :C].set(mlp_b2)

    local = pl.pallas_call(
        _mlp_kernel,
        grid=(K // KBLK,),
        in_specs=[
            pl.BlockSpec((S, KBLK, 128), lambda i: (0, i, 0)),
            pl.BlockSpec((KBLK, 128), lambda i: (i, 0)),
            pl.BlockSpec((128, C), lambda i: (0, 0)),
            pl.BlockSpec((8, 128), lambda i: (0, 0)),
            pl.BlockSpec((C, C), lambda i: (0, 0)),
            pl.BlockSpec((8, 128), lambda i: (0, 0)),
        ],
        out_specs=pl.BlockSpec((KBLK, C), lambda i: (i, 0)),
        out_shape=jax.ShapeDtypeStruct((K, C), jnp.float32),
    )(g, nbd_full, w1p, b1p, mlp_w2, b2p)

    local_sa = pl.pallas_call(
        _sa_self_kernel,
        out_shape=jax.ShapeDtypeStruct((K, C), jnp.float32),
    )(local, sa0_wq.T, sa0_wk.T, sa0_wv.T, sa0_wo.T)

    pf_pad = jnp.concatenate(
        [pillar_features, jnp.zeros((NPAD_ATT - N, C), jnp.float32)], axis=0)

    ctx_t = pl.pallas_call(
        _cross_kernel,
        grid=(NPAD_ATT // BLK_ATT,),
        in_specs=[pl.BlockSpec((BLK_ATT, C), lambda i: (i, 0)),
                  pl.BlockSpec((K, C), lambda i: (0, 0))] +
                 [pl.BlockSpec((C, C), lambda i: (0, 0))] * 8,
        out_specs=pl.BlockSpec((BLK_ATT, C), lambda i: (i, 0)),
        out_shape=jax.ShapeDtypeStruct((NPAD_ATT, C), jnp.float32),
    )(pf_pad, local_sa, sa1_wq.T, sa1_wk.T, sa1_wv.T, sa1_wo.T,
      sa2_wq.T, sa2_wk.T, sa2_wv.T, sa2_wo.T)
    context_t = ctx_t[:N]

    idx_flat = coords[:, 1] + coords[:, 2] * NX + coords[:, 3]
    spatial_t = jnp.zeros((NZ * NX * NY, C), jnp.float32).at[idx_flat].set(
        context_t)
    spatial = spatial_t.T.reshape(1, C, NY, NX)
    p0 = jax.image.resize(spatial, (1, C, NY // 2, NX // 2), 'bilinear')
    p1 = jax.image.resize(spatial, (1, C, NY // 4, NX // 4), 'bilinear')
    p2 = jax.image.resize(spatial, (1, C, NY // 8, NX // 8), 'bilinear')
    return (p0, p1, p2)

# --- scband reference (transcript-rebuilt; emitter-appended) ---
"""Pipeline reference for scband-pillar-context3-d-def-53498112639177 (READ-ONLY COPY).

The authoritative reference and input builder live on the scoring server;
editing this copy changes nothing except your own understanding.
"""

import jax, jax.numpy as jnp
import numpy as np
from jax import lax

N_PILLARS = 12000
C = 64
NUM_KEYPOINTS = 1024
NSAMPLE = 16
NX, NY, NZ = 432, 496, 1
VX, VY, VZ = 0.16, 0.16, 4.0
X_OFF, Y_OFF, Z_OFF = 0.08 + 0.0, 0.08 - 39.68, 2.0 - 3.0
POOL_RADIUS = 1.2


def setup_inputs(seed: int = 0) -> dict:
    key = jax.random.key(seed)
    ks = jax.random.split(key, 24)
    pillar_features = jax.random.normal(ks[0], (N_PILLARS, C), dtype=jnp.float32)
    ybin = jax.random.randint(ks[1], (N_PILLARS,), 0, NY)
    xbin = jax.random.randint(ks[2], (N_PILLARS,), 0, NX)
    zeros = jnp.zeros((N_PILLARS,), dtype=jnp.int32)
    voxel_coords = jnp.stack([zeros, zeros, ybin, xbin], axis=1).astype(jnp.int32)

    def w(k, shape):
        return jax.random.normal(k, shape, dtype=jnp.float32) * 0.05

    params = {
        'mlp_w1': w(ks[3], (C + 3, C)), 'mlp_b1': jnp.zeros((C,), jnp.float32),
        'mlp_w2': w(ks[4], (C, C)), 'mlp_b2': jnp.zeros((C,), jnp.float32),
    }
    i = 5
    for n in ['sa0', 'sa1', 'sa2']:
        for p in ['wq', 'wk', 'wv', 'wo']:
            params[n + '_' + p] = w(ks[i], (C, C))
            i += 1
    return {'pillar_features': pillar_features, 'voxel_coords': voxel_coords, 'batch_size': 1, **params}


def _fps(xyz, npoint):
    n = xyz.shape[0]

    def body(i, state):
        dists, idxs, far = state
        idxs = idxs.at[i].set(far)
        d = jnp.sum((xyz - xyz[far]) ** 2, axis=1)
        dists = jnp.minimum(dists, d)
        return dists, idxs, jnp.argmax(dists).astype(jnp.int32)

    dists0 = jnp.full((n,), 1e10, jnp.float32)
    idxs0 = jnp.zeros((npoint,), jnp.int32)
    _, idxs, _ = lax.fori_loop(0, npoint, body, (dists0, idxs0, jnp.int32(0)))
    return idxs


def _sa_self(x, wq, wk, wv, wo):
    q = wq @ x
    k = wk @ x
    v = wv @ x
    attn = jax.nn.softmax((q.T @ k) / jnp.sqrt(jnp.float32(x.shape[0])), axis=-1)
    return x + wo @ (v @ attn.T)


def _sa_cross(x, y, wq, wk, wv, wo):
    q = wq @ x
    k = wk @ y
    v = wv @ y
    attn = jax.nn.softmax((q.T @ k) / jnp.sqrt(jnp.float32(x.shape[0])), axis=-1)
    return x + wo @ (v @ attn.T)


def reference(pillar_features, voxel_coords, batch_size, mlp_w1, mlp_b1, mlp_w2, mlp_b2,
              sa0_wq, sa0_wk, sa0_wv, sa0_wo,
              sa1_wq, sa1_wk, sa1_wv, sa1_wo,
              sa2_wq, sa2_wk, sa2_wv, sa2_wo):
    coords = voxel_coords
    # pillar centers from integer voxel coords [bs, z, y, x]
    pc = jnp.stack([
        coords[:, 3].astype(jnp.float32) * VX + X_OFF,
        coords[:, 2].astype(jnp.float32) * VY + Y_OFF,
        coords[:, 1].astype(jnp.float32) * VZ + Z_OFF,
    ], axis=1)
    # keypoint selection via furthest point sampling (retrieval over pillar set)
    kp_idx = _fps(pc, NUM_KEYPOINTS)
    kp = pc[kp_idx]
    # ball query via kNN: pairwise distances keypoints -> all pillars, top-nsample nearest
    d2 = jnp.sum((kp[:, None, :] - pc[None, :, :]) ** 2, axis=-1)  # [K, N]
    negd, nbr = lax.top_k(-d2, NSAMPLE)
    nbr_d2 = -negd
    mask = (nbr_d2 <= POOL_RADIUS ** 2).astype(jnp.float32)
    grouped_xyz = pc[nbr] - kp[:, None, :]            # [K, S, 3]
    grouped_feat = pillar_features[nbr]               # [K, S, C]
    g = jnp.concatenate([grouped_xyz, grouped_feat], axis=-1)
    h = jax.nn.relu(g @ mlp_w1 + mlp_b1)
    h = jax.nn.relu(h @ mlp_w2 + mlp_b2)
    h = h * mask[:, :, None]
    local = jnp.max(h, axis=1)                        # [K, C] max-pooled local keypoint features
    # self attention over keypoint features, then two cross-attention blocks pillar<-keypoints
    local_sa = _sa_self(local.T, sa0_wq, sa0_wk, sa0_wv, sa0_wo)   # [C, K]
    pf = pillar_features.T                                         # [C, N]
    a1 = _sa_cross(pf, local_sa, sa1_wq, sa1_wk, sa1_wv, sa1_wo)
    a2 = _sa_cross(a1, local_sa, sa2_wq, sa2_wk, sa2_wv, sa2_wo)
    context = a2                                                   # [C, N]
    # scatter pillar context into dense BEV grid
    idx_flat = coords[:, 1] + coords[:, 2] * NX + coords[:, 3]
    spatial = jnp.zeros((C, NZ * NX * NY), jnp.float32).at[:, idx_flat].set(context)
    spatial = spatial.reshape(1, C, NY, NX)
    p0 = jax.image.resize(spatial, (1, C, NY // 2, NX // 2), 'bilinear')
    p1 = jax.image.resize(spatial, (1, C, NY // 4, NX // 4), 'bilinear')
    p2 = jax.image.resize(spatial, (1, C, NY // 8, NX // 8), 'bilinear')
    return (p0, p1, p2)

if __name__ == "__main__":
    import jax
    _d = setup_inputs()
    print(jax.jit(kernel)(*tuple(_d.values())))

</pallas_src>

<mosaic_0001>
module attributes {stable_mosaic.version = 14 : i64} {
  func.func @_fps_kernel(%arg0: memref<94x128xf32, #tpu.memory_space<vmem>>, %arg1: memref<94x128xf32, #tpu.memory_space<vmem>>, %arg2: memref<94x128xf32, #tpu.memory_space<vmem>>, %arg3: memref<12032xf32, #tpu.memory_space<smem>>, %arg4: memref<12032xf32, #tpu.memory_space<smem>>, %arg5: memref<12032xf32, #tpu.memory_space<smem>>, %arg6: memref<1024xi32, #tpu.memory_space<smem>>) attributes {dimension_semantics = [], scalar_prefetch = 0 : i64, scratch_operands = 0 : i64, tpu.core_type = #tpu.core_type<tc>} {
    %iota3A = tpu.iota {dimensions = array<i32: 0>} : vector<94x128xi32>
    %mul3A = arith.constant 128 : i32
    %mul3A_0 = vector.broadcast %mul3A : i32 to vector<94x128xi32>
    %mul3A_1 = arith.muli %iota3A, %mul3A_0 : vector<94x128xi32>
    %iota3A_2 = tpu.iota {dimensions = array<i32: 1>} : vector<94x128xi32>
    %add3A = arith.addi %mul3A_1, %iota3A_2 : vector<94x128xi32>
    %lt3A = arith.constant 12000 : i32
    %lt3A_3 = vector.broadcast %lt3A : i32 to vector<94x128xi32>
    %lt3A_4 = arith.cmpi slt, %add3A, %lt3A_3 : vector<94x128xi32>
    %jit3A = arith.constant 1.000000e+10 : f32
    %jit3A_5 = arith.constant -1.000000e+00 : f32
    %broadcast_in_dim3A = vector.broadcast %jit3A : f32 to vector<94x128xf32>
    %broadcast_in_dim3A_6 = vector.broadcast %jit3A_5 : f32 to vector<94x128xf32>
    %select_n3A = arith.select %lt3A_4, %broadcast_in_dim3A, %broadcast_in_dim3A_6 : vector<94x128xi1>, vector<94x128xf32>
    %scan3A = arith.constant 0 : i32
    %scan3A_7 = arith.constant 0 : i32
    %scan3A_8 = arith.constant 128 : i32
    %scan3A_9 = arith.addi %scan3A_7, %scan3A_8 : i32
    %scan3A_10 = arith.constant 1 : i32
    %scan3A_11:2 = scf.for %scan3A_13 = %scan3A_7 to %scan3A_9 step %scan3A_10 iter_args(%scan3A_14 = %select_n3A, %scan3A_15 = %scan3A) -> (vector<94x128xf32>, i32)  : i32 {
      %swap3A = arith.index_cast %scan3A_13 : i32 to index
      %swap3A_16 = memref.load %arg6[%swap3A] : memref<1024xi32, #tpu.memory_space<smem>>
      memref.store %scan3A_15, %arg6[%swap3A] : memref<1024xi32, #tpu.memory_space<smem>>
      %get3A = arith.index_cast %scan3A_15 : i32 to index
      %get3A_17 = memref.load %arg3[%get3A] : memref<12032xf32, #tpu.memory_space<smem>>
      %get3A_18 = arith.index_cast %scan3A_15 : i32 to index
      %get3A_19 = memref.load %arg4[%get3A_18] : memref<12032xf32, #tpu.memory_space<smem>>
      %get3A_20 = arith.index_cast %scan3A_15 : i32 to index
      %get3A_21 = memref.load %arg5[%get3A_20] : memref<12032xf32, #tpu.memory_space<smem>>
      %get3A_22 = arith.constant 0 : index
      %get3A_23 = arith.constant 0 : index
      %get3A_24 = vector.load %arg0[%get3A_22, %get3A_23] : memref<94x128xf32, #tpu.memory_space<vmem>>, vector<94x128xf32>
      %sub3A = vector.broadcast %get3A_17 : f32 to vector<94x128xf32>
      %sub3A_25 = arith.subf %get3A_24, %sub3A : vector<94x128xf32>
      %get3A_26 = arith.constant 0 : index
      %get3A_27 = arith.constant 0 : index
      %get3A_28 = vector.load %arg1[%get3A_26, %get3A_27] : memref<94x128xf32, #tpu.memory_space<vmem>>, vector<94x128xf32>
      %sub3A_29 = vector.broadcast %get3A_19 : f32 to vector<94x128xf32>
      %sub3A_30 = arith.subf %get3A_28, %sub3A_29 : vector<94x128xf32>
      %get3A_31 = arith.constant 0 : index
      %get3A_32 = arith.constant 0 : index
      %get3A_33 = vector.load %arg2[%get3A_31, %get3A_32] : memref<94x128xf32, #tpu.memory_space<vmem>>, vector<94x128xf32>
      %sub3A_34 = vector.broadcast %get3A_21 : f32 to vector<94x128xf32>
      %sub3A_35 = arith.subf %get3A_33, %sub3A_34 : vector<94x128xf32>
      %mul3A_36 = arith.mulf %sub3A_25, %sub3A_25 : vector<94x128xf32>
      %mul3A_37 = arith.mulf %sub3A_30, %sub3A_30 : vector<94x128xf32>
      %add3A_38 = arith.addf %mul3A_36, %mul3A_37 : vector<94x128xf32>
      %mul3A_39 = arith.mulf %sub3A_35, %sub3A_35 : vector<94x128xf32>
      %add3A_40 = arith.addf %add3A_38, %mul3A_39 : vector<94x128xf32>
      %min3A = arith.minimumf %scan3A_14, %add3A_40 : vector<94x128xf32>
      %reduce_max3A = vector.shape_cast %min3A : vector<94x128xf32> to vector<1x94x128xf32>
      %reduce_max3A_41 = arith.constant dense<0xFF800000> : vector<1xf32>
      %reduce_max3A_42 = vector.multi_reduction <maximumf>, %reduce_max3A, %reduce_max3A_41 [1, 2] : vector<1x94x128xf32> to vector<1xf32>
      %reduce_max3A_43 = vector.shape_cast %reduce_max3A_42 : vector<1xf32> to vector<1x1x1xf32>
      %reduce_max3A_44 = vector.extract %reduce_max3A_43[0, 0, 0] : f32 from vector<1x1x1xf32>
      %broadcast_in_dim3A_45 = vector.broadcast %reduce_max3A_44 : f32 to vector<1x1xf32>
      %ge3A = vector.broadcast %broadcast_in_dim3A_45 : vector<1x1xf32> to vector<94x128xf32>
      %ge3A_46 = arith.cmpf oge, %min3A, %ge3A : vector<94x128xf32>
      %jit3A_47 = arith.constant 1073741824 : i32
      %broadcast_in_dim3A_48 = vector.broadcast %jit3A_47 : i32 to vector<94x128xi32>
      %select_n3A_49 = arith.select %ge3A_46, %add3A, %broadcast_in_dim3A_48 : vector<94x128xi1>, vector<94x128xi32>
      %reduce_min3A = vector.shape_cast %select_n3A_49 : vector<94x128xi32> to vector<1x94x128xi32>
      %reduce_min3A_50 = arith.constant dense<2147483647> : vector<1xi32>
      %reduce_min3A_51 = vector.multi_reduction <minsi>, %reduce_min3A, %reduce_min3A_50 [1, 2] : vector<1x94x128xi32> to vector<1xi32>
      %reduce_min3A_52 = vector.shape_cast %reduce_min3A_51 : vector<1xi32> to vector<1x1x1xi32>
      %reduce_min3A_53 = vector.extract %reduce_min3A_52[0, 0, 0] : i32 from vector<1x1x1xi32>
      scf.yield %min3A, %reduce_min3A_53 : vector<94x128xf32>, i32
    }
    %scan3A_12 = arith.constant 128 : i32
    return
  }
}

module attributes {stable_mosaic.version = 14 : i64} {
  func.func @_knn_kernel(%arg0: i32, %arg1: memref<128x128xf32, #tpu.memory_space<vmem>>, %arg2: memref<8x12032xf32, #tpu.memory_space<vmem>>, %arg3: memref<8x12032xf32, #tpu.memory_space<vmem>>, %arg4: memref<8x12032xf32, #tpu.memory_space<vmem>>, %arg5: memref<128x128xi32, #tpu.memory_space<vmem>>, %arg6: memref<128x128xf32, #tpu.memory_space<vmem>>) attributes {dimension_semantics = [#tpu.dimension_semantics<arbitrary>], iteration_bounds = array<i64: 8>, scalar_prefetch = 0 : i64, scratch_operands = 0 : i64, tpu.core_type = #tpu.core_type<tc>, window_params = [{transform_indices = @transform_0, window_bounds = array<i64: 128, 128>}, {pipeline_mode = #tpu.pipeline_mode<synchronous>, transform_indices = @transform_1, window_bounds = array<i64: 8, 12032>}, {pipeline_mode = #tpu.pipeline_mode<synchronous>, transform_indices = @transform_2, window_bounds = array<i64: 8, 12032>}, {pipeline_mode = #tpu.pipeline_mode<synchronous>, transform_indices = @transform_3, window_bounds = array<i64: 8, 12032>}, {transform_indices = @transform_4, window_bounds = array<i64: 128, 128>}, {transform_indices = @transform_5, window_bounds = array<i64: 128, 128>}]} {
    %get3A = arith.constant 0 : index
    %get3A_0 = arith.constant 0 : index
    %get3A_1 = vector.load %arg1[%get3A, %get3A_0] : memref<128x128xf32, #tpu.memory_space<vmem>>, vector<128x128xf32>
    %slice3A = vector.extract_strided_slice %get3A_1 {offsets = [0, 0], sizes = [128, 1], strides = [1, 1]} : vector<128x128xf32> to vector<128x1xf32>
    %get3A_2 = arith.constant 0 : index
    %get3A_3 = arith.constant 0 : index
    %get3A_4 = vector.load %arg2[%get3A_2, %get3A_3] : memref<8x12032xf32, #tpu.memory_space<vmem>>, vector<1x12032xf32>
    %sub3A = vector.broadcast %slice3A : vector<128x1xf32> to vector<128x12032xf32>
    %sub3A_5 = vector.broadcast %get3A_4 : vector<1x12032xf32> to vector<128x12032xf32>
    %sub3A_6 = arith.subf %sub3A, %sub3A_5 : vector<128x12032xf32>
    %slice3A_7 = vector.extract_strided_slice %get3A_1 {offsets = [0, 1], sizes = [128, 1], strides = [1, 1]} : vector<128x128xf32> to vector<128x1xf32>
    %get3A_8 = arith.constant 0 : index
    %get3A_9 = arith.constant 0 : index
    %get3A_10 = vector.load %arg3[%get3A_8, %get3A_9] : memref<8x12032xf32, #tpu.memory_space<vmem>>, vector<1x12032xf32>
    %sub3A_11 = vector.broadcast %slice3A_7 : vector<128x1xf32> to vector<128x12032xf32>
    %sub3A_12 = vector.broadcast %get3A_10 : vector<1x12032xf32> to vector<128x12032xf32>
    %sub3A_13 = arith.subf %sub3A_11, %sub3A_12 : vector<128x12032xf32>
    %slice3A_14 = vector.extract_strided_slice %get3A_1 {offsets = [0, 2], sizes = [128, 1], strides = [1, 1]} : vector<128x128xf32> to vector<128x1xf32>
    %get3A_15 = arith.constant 0 : index
    %get3A_16 = arith.constant 0 : index
    %get3A_17 = vector.load %arg4[%get3A_15, %get3A_16] : memref<8x12032xf32, #tpu.memory_space<vmem>>, vector<1x12032xf32>
    %sub3A_18 = vector.broadcast %slice3A_14 : vector<128x1xf32> to vector<128x12032xf32>
    %sub3A_19 = vector.broadcast %get3A_17 : vector<1x12032xf32> to vector<128x12032xf32>
    %sub3A_20 = arith.subf %sub3A_18, %sub3A_19 : vector<128x12032xf32>
    %mul3A = arith.mulf %sub3A_6, %sub3A_6 : vector<128x12032xf32>
    %mul3A_21 = arith.mulf %sub3A_13, %sub3A_13 : vector<128x12032xf32>
    %add3A = arith.addf %mul3A, %mul3A_21 : vector<128x12032xf32>
    %mul3A_22 = arith.mulf %sub3A_20, %sub3A_20 : vector<128x12032xf32>
    %add3A_23 = arith.addf %add3A, %mul3A_22 : vector<128x12032xf32>
    %iota3A = tpu.iota {dimensions = array<i32: 1>} : vector<128x12032xi32>
    %lt3A = arith.constant 12000 : i32
    %lt3A_24 = vector.broadcast %lt3A : i32 to vector<128x12032xi32>
    %lt3A_25 = arith.cmpi slt, %iota3A, %lt3A_24 : vector<128x12032xi32>
    %jit3A = arith.constant 3.000000e+38 : f32
    %broadcast_in_dim3A = vector.broadcast %jit3A : f32 to vector<128x12032xf32>
    %select_n3A = arith.select %lt3A_25, %add3A_23, %broadcast_in_dim3A : vector<128x12032xi1>, vector<128x12032xf32>
    %reduce_min3A = arith.constant dense<0x7F800000> : vector<128xf32>
    %reduce_min3A_26 = vector.multi_reduction <minimumf>, %select_n3A, %reduce_min3A [1] : vector<128x12032xf32> to vector<128xf32>
    %broadcast_in_dim3A_27 = vector.shape_cast %reduce_min3A_26 : vector<128xf32> to vector<128x1xf32>
    %le3A = vector.broadcast %broadcast_in_dim3A_27 : vector<128x1xf32> to vector<128x12032xf32>
    %le3A_28 = arith.cmpf ole, %select_n3A, %le3A : vector<128x12032xf32>
    %jit3A_29 = arith.constant 1073741824 : i32
    %broadcast_in_dim3A_30 = vector.broadcast %jit3A_29 : i32 to vector<128x12032xi32>
    %select_n3A_31 = arith.select %le3A_28, %iota3A, %broadcast_in_dim3A_30 : vector<128x12032xi1>, vector<128x12032xi32>
    %reduce_min3A_32 = arith.constant dense<2147483647> : vector<128xi32>
    %reduce_min3A_33 = vector.multi_reduction <minsi>, %select_n3A_31, %reduce_min3A_32 [1] : vector<128x12032xi32> to vector<128xi32>
    %broadcast_in_dim3A_34 = vector.shape_cast %reduce_min3A_33 : vector<128xi32> to vector<128x1xi32>
    %swap3A = arith.constant 0 : index
    %swap3A_35 = arith.constant 0 : index
    %swap3A_36 = vector.load %arg5[%swap3A, %swap3A_35] : memref<128x128xi32, #tpu.memory_space<vmem>>, vector<128x1xi32>
    tpu.vector_store %arg5[%swap3A, %swap3A_35], %broadcast_in_dim3A_34 {strides = array<i32>} : memref<128x128xi32, #tpu.memory_space<vmem>>, vector<128x1xi32>,
    %swap3A_37 = arith.constant 0 : index
    %swap3A_38 = arith.constant 0 : index
    %swap3A_39 = vector.load %arg6[%swap3A_37, %swap3A_38] : memref<128x128xf32, #tpu.memory_space<vmem>>, vector<128x1xf32>
    tpu.vector_store %arg6[%swap3A_37, %swap3A_38], %broadcast_in_dim3A_27 {strides = array<i32>} : memref<128x128xf32, #tpu.memory_space<vmem>>, vector<128x1xf32>,
    %eq3A = vector.broadcast %broadcast_in_dim3A_34 : vector<128x1xi32> to vector<128x12032xi32>
    %eq3A_40 = arith.cmpi eq, %iota3A, %eq3A : vector<128x12032xi32>
    %jit3A_41 = arith.constant 3.000000e+38 : f32
    %broadcast_in_dim3A_42 = vector.broadcast %jit3A_41 : f32 to vector<128x12032xf32>
    %select_n3A_43 = arith.select %eq3A_40, %broadcast_in_dim3A_42, %select_n3A : vector<128x12032xi1>, vector<128x12032xf32>
    %reduce_min3A_44 = arith.constant dense<0x7F800000> : vector<128xf32>
    %reduce_min3A_45 = vector.multi_reduction <minimumf>, %select_n3A_43, %reduce_min3A_44 [1] : vector<128x12032xf32> to vector<128xf32>
    %broadcast_in_dim3A_46 = vector.shape_cast %reduce_min3A_45 : vector<128xf32> to vector<128x1xf32>
    %le3A_47 = vector.broadcast %broadcast_in_dim3A_46 : vector<128x1xf32> to vector<128x12032xf32>
    %le3A_48 = arith.cmpf ole, %select_n3A_43, %le3A_47 : vector<128x12032xf32>
    %jit3A_49 = arith.constant 1073741824 : i32
    %broadcast_in_dim3A_50 = vector.broadcast %jit3A_49 : i32 to vector<128x12032xi32>
    %select_n3A_51 = arith.select %le3A_48, %iota3A, %broadcast_in_dim3A_50 : vector<128x12032xi1>, vector<128x12032xi32>
    %reduce_min3A_52 = arith.constant dense<2147483647> : vector<128xi32>
    %reduce_min3A_53 = vector.multi_reduction <minsi>, %select_n3A_51, %reduce_min3A_52 [1] : vector<128x12032xi32> to vector<128xi32>
    %broadcast_in_dim3A_54 = vector.shape_cast %reduce_min3A_53 : vector<128xi32> to vector<128x1xi32>
    %swap3A_55 = arith.constant 0 : index
    %swap3A_56 = arith.constant 1 : index
    %swap3A_57 = vector.load %arg5[%swap3A_55, %swap3A_56] : memref<128x128xi32, #tpu.memory_space<vmem>>, vector<128x1xi32>
    tpu.vector_store %arg5[%swap3A_55, %swap3A_56], %broadcast_in_dim3A_54 {strides = array<i32>} : memref<128x128xi32, #tpu.memory_space<vmem>>, vector<128x1xi32>,
    %swap3A_58 = arith.constant 0 : index
    %swap3A_59 = arith.constant 1 : index
    %swap3A_60 = vector.load %arg6[%swap3A_58, %swap3A_59] : memref<128x128xf32, #tpu.memory_space<vmem>>, vector<128x1xf32>
    tpu.vector_store %arg6[%swap3A_58, %swap3A_59], %broadcast_in_dim3A_46 {strides = array<i32>} : memref<128x128xf32, #tpu.memory_space<vmem>>, vector<128x1xf32>,
    %eq3A_61 = vector.broadcast %broadcast_in_dim3A_54 : vector<128x1xi32> to vector<128x12032xi32>
    %eq3A_62 = arith.cmpi eq, %iota3A, %eq3A_61 : vector<128x12032xi32>
    %jit3A_63 = arith.constant 3.000000e+38 : f32
    %broadcast_in_dim3A_64 = vector.broadcast %jit3A_63 : f32 to vector<128x12032xf32>
    %select_n3A_65 = arith.select %eq3A_62, %broadcast_in_dim3A_64, %select_n3A_43 : vector<128x12032xi1>, vector<128x12032xf32>
    %reduce_min3A_66 = arith.constant dense<0x7F800000> : vector<128xf32>
    %reduce_min3A_67 = vector.multi_reduction <minimumf>, %select_n3A_65, %reduce_min3A_66 [1] : vector<128x12032xf32> to vector<128xf32>
    %broadcast_in_dim3A_68 = vector.shape_cast %reduce_min3A_67 : vector<128xf32> to vector<128x1xf32>
    %le3A_69 = vector.broadcast %broadcast_in_dim3A_68 : vector<128x1xf32> to vector<128x12032xf32>
    %le3A_70 = arith.cmpf ole, %select_n3A_65, %le3A_69 : vector<128x12032xf32>
    %jit3A_71 = arith.constant 1073741824 : i32
    %broadcast_in_dim3A_72 = vector.broadcast %jit3A_71 : i32 to vector<128x12032xi32>
    %select_n3A_73 = arith.select %le3A_70, %iota3A, %broadcast_in_dim3A_72 : vector<128x12032xi1>, vector<128x12032xi32>
    %reduce_min3A_74 = arith.constant dense<2147483647> : vector<128xi32>
    %reduce_min3A_75 = vector.multi_reduction <minsi>, %select_n3A_73, %reduce_min3A_74 [1] : vector<128x12032xi32> to vector<128xi32>
    %broadcast_in_dim3A_76 = vector.shape_cast %reduce_min3A_75 : vector<128xi32> to vector<128x1xi32>
    %swap3A_77 = arith.constant 0 : index
    %swap3A_78 = arith.constant 2 : index
    %swap3A_79 = vector.load %arg5[%swap3A_77, %swap3A_78] : memref<128x128xi32, #tpu.memory_space<vmem>>, vector<128x1xi32>
    tpu.vector_store %arg5[%swap3A_77, %swap3A_78], %broadcast_in_dim3A_76 {strides = array<i32>} : memref<128x128xi32, #tpu.memory_space<vmem>>, vector<128x1xi32>,
    %swap3A_80 = arith.constant 0 : index
    %swap3A_81 = arith.constant 2 : index
    %swap3A_82 = vector.load %arg6[%swap3A_80, %swap3A_81] : memref<128x128xf32, #tpu.memory_space<vmem>>, vector<128x1xf32>
    tpu.vector_store %arg6[%swap3A_80, %swap3A_81], %broadcast_in_dim3A_68 {strides = array<i32>} : memref<128x128xf32, #tpu.memory_space<vmem>>, vector<128x1xf32>,
    %eq3A_83 = vector.broadcast %broadcast_in_dim3A_76 : vector<128x1xi32> to vector<128x12032xi32>
    %eq3A_84 = arith.cmpi eq, %iota3A, %eq3A_83 : vector<128x12032xi32>
    %jit3A_85 = arith.constant 3.000000e+38 : f32
    %broadcast_in_dim3A_86 = vector.broadcast %jit3A_85 : f32 to vector<128x12032xf32>
    %select_n3A_87 = arith.select %eq3A_84, %broadcast_in_dim3A_86, %select_n3A_65 : vector<128x12032xi1>, vector<128x12032xf32>
    %reduce_min3A_88 = arith.constant dense<0x7F800000> : vector<128xf32>
    %reduce_min3A_89 = vector.multi_reduction <minimumf>, %select_n3A_87, %reduce_min3A_88 [1] : vector<128x12032xf32> to vector<128xf32>
    %broadcast_in_dim3A_90 = vector.shape_cast %reduce_min3A_89 : vector<128xf32> to vector<128x1xf32>
    %le3A_91 = vector.broadcast %broadcast_in_dim3A_90 : vector<128x1xf32> to vector<128x12032xf32>
    %le3A_92 = arith.cmpf ole, %select_n3A_87, %le3A_91 : vector<128x12032xf32>
    %jit3A_93 = arith.constant 1073741824 : i32
    %broadcast_in_dim3A_94 = vector.broadcast %jit3A_93 : i32 to vector<128x12032xi32>
    %select_n3A_95 = arith.select %le3A_92, %iota3A, %broadcast_in_dim3A_94 : vector<128x12032xi1>, vector<128x12032xi32>
    %reduce_min3A_96 = arith.constant dense<2147483647> : vector<128xi32>
    %reduce_min3A_97 = vector.multi_reduction <minsi>, %select_n3A_95, %reduce_min3A_96 [1] : vector<128x12032xi32> to vector<128xi32>
    %broadcast_in_dim3A_98 = vector.shape_cast %reduce_min3A_97 : vector<128xi32> to vector<128x1xi32>
    %swap3A_99 = arith.constant 0 : index
    %swap3A_100 = arith.constant 3 : index
    %swap3A_101 = vector.load %arg5[%swap3A_99, %swap3A_100] : memref<128x128xi32, #tpu.memory_space<vmem>>, vector<128x1xi32>
    tpu.vector_store %arg5[%swap3A_99, %swap3A_100], %broadcast_in_dim3A_98 {strides = array<i32>} : memref<128x128xi32, #tpu.memory_space<vmem>>, vector<128x1xi32>,
    %swap3A_102 = arith.constant 0 : index
    %swap3A_103 = arith.constant 3 : index
    %swap3A_104 = vector.load %arg6[%swap3A_102, %swap3A_103] : memref<128x128xf32, #tpu.memory_space<vmem>>, vector<128x1xf32>
    tpu.vector_store %arg6[%swap3A_102, %swap3A_103], %broadcast_in_dim3A_90 {strides = array<i32>} : memref<128x128xf32, #tpu.memory_space<vmem>>, vector<128x1xf32>,
    %eq3A_105 = vector.broadcast %broadcast_in_dim3A_98 : vector<128x1xi32> to vector<128x12032xi32>
    %eq3A_106 = arith.cmpi eq, %iota3A, %eq3A_105 : vector<128x12032xi32>
    %jit3A_107 = arith.constant 3.000000e+38 : f32
    %broadcast_in_dim3A_108 = vector.broadcast %jit3A_107 : f32 to vector<128x12032xf32>
    %select_n3A_109 = arith.select %eq3A_106, %broadcast_in_dim3A_108, %select_n3A_87 : vector<128x12032xi1>, vector<128x12032xf32>
    %reduce_min3A_110 = arith.constant dense<0x7F800000> : vector<128xf32>
    %reduce_min3A_111 = vector.multi_reduction <minimumf>, %select_n3A_109, %reduce_min3A_110 [1] : vector<128x12032xf32> to vector<128xf32>
    %broadcast_in_dim3A_112 = vector.shape_cast %reduce_min3A_111 : vector<128xf32> to vector<128x1xf32>
    %le3A_113 = vector.broadcast %broadcast_in_dim3A_112 : vector<128x1xf32> to vector<128x12032xf32>
    %le3A_114 = arith.cmpf ole, %select_n3A_109, %le3A_113 : vector<128x12032xf32>
    %jit3A_115 = arith.constant 1073741824 : i32
    %broadcast_in_dim3A_116 = vector.broadcast %jit3A_115 : i32 to vector<128x12032xi32>
    %select_n3A_117 = arith.select %le3A_114, %iota3A, %broadcast_in_dim3A_116 : vector<128x12032xi1>, vector<128x12032xi32>
    %reduce_min3A_118 = arith.constant dense<2147483647> : vector<128xi32>
    %reduce_min3A_119 = vector.multi_reduction <minsi>, %select_n3A_117, %reduce_min3A_118 [1] : vector<128x12032xi32> to vector<128xi32>
    %broadcast_in_dim3A_120 = vector.shape_cast %reduce_min3A_119 : vector<128xi32> to vector<128x1xi32>
    %swap3A_121 = arith.constant 0 : index
    %swap3A_122 = arith.constant 4 : index
    %swap3A_123 = vector.load %arg5[%swap3A_121, %swap3A_122] : memref<128x128xi32, #tpu.memory_space<vmem>>, vector<128x1xi32>
    tpu.vector_store %arg5[%swap3A_121, %swap3A_122], %broadcast_in_dim3A_120 {strides = array<i32>} : memref<128x128xi32, #tpu.memory_space<vmem>>, vector<128x1xi32>,
    %swap3A_124 = arith.constant 0 : index
    %swap3A_125 = arith.constant 4 : index
    %swap3A_126 = vector.load %arg6[%swap3A_124, %swap3A_125] : memref<128x128xf32, #tpu.memory_space<vmem>>, vector<128x1xf32>
    tpu.vector_store %arg6[%swap3A_124, %swap3A_125], %broadcast_in_dim3A_112 {strides = array<i32>} : memref<128x128xf32, #tpu.memory_space<vmem>>, vector<128x1xf32>,
    %eq3A_127 = vector.broadcast %broadcast_in_dim3A_120 : vector<128x1xi32> to vector<128x12032xi32>
    %eq3A_128 = arith.cmpi eq, %iota3A, %eq3A_127 : vector<128x12032xi32>
    %jit3A_129 = arith.constant 3.000000e+38 : f32
    %broadcast_in_dim3A_130 = vector.broadcast %jit3A_129 : f32 to vector<128x12032xf32>
    %select_n3A_131 = arith.select %eq3A_128, %broadcast_in_dim3A_130, %select_n3A_109 : vector<128x12032xi1>, vector<128x12032xf32>
    %reduce_min3A_132 = arith.constant dense<0x7F800000> : vector<128xf32>
    %reduce_min3A_133 = vector.multi_reduction <minimumf>, %select_n3A_131, %reduce_min3A_132 [1] : vector<128x12032xf32> to vector<128xf32>
    %broadcast_in_dim3A_134 = vector.shape_cast %reduce_min3A_133 : vector<128xf32> to vector<128x1xf32>
    %le3A_135 = vector.broadcast %broadcast_in_dim3A_134 : vector<128x1xf32> to vector<128x12032xf32>
    %le3A_136 = arith.cmpf ole, %select_n3A_131, %le3A_135 : vector<128x12032xf32>
    %jit3A_137 = arith.constant 1073741824 : i32
    %broadcast_in_dim3A_138 = vector.broadcast %jit3A_137 : i32 to vector<128x12032xi32>
    %select_n3A_139 = arith.select %le3A_136, %iota3A, %broadcast_in_dim3A_138 : vector<128x12032xi1>, vector<128x12032xi32>
    %reduce_min3A_140 = arith.constant dense<2147483647> : vector<128xi32>
    %reduce_min3A_141 = vector.multi_reduction <minsi>, %select_n3A_139, %reduce_min3A_140 [1] : vector<128x12032xi32> to vector<128xi32>
    %broadcast_in_dim3A_142 = vector.shape_cast %reduce_min3A_141 : vector<128xi32> to vector<128x1xi32>
    %swap3A_143 = arith.constant 0 : index
    %swap3A_144 = arith.constant 5 : index
    %swap3A_145 = vector.load %arg5[%swap3A_143, %swap3A_144] : memref<128x128xi32, #tpu.memory_space<vmem>>, vector<128x1xi32>
    tpu.vector_store %arg5[%swap3A_143, %swap3A_144], %broadcast_in_dim3A_142 {strides = array<i32>} : memref<128x128xi32, #tpu.memory_space<vmem>>, vector<128x1xi32>,
    %swap3A_146 = arith.constant 0 : index
    %swap3A_147 = arith.constant 5 : index
    %swap3A_148 = vector.load %arg6[%swap3A_146, %swap3A_147] : memref<128x128xf32, #tpu.memory_space<vmem>>, vector<128x1xf32>
    tpu.vector_store %arg6[%swap3A_146, %swap3A_147], %broadcast_in_dim3A_134 {strides = array<i32>} : memref<128x128xf32, #tpu.memory_space<vmem>>, vector<128x1xf32>,
    %eq3A_149 = vector.broadcast %broadcast_in_dim3A_142 : vector<128x1xi32> to vector<128x12032xi32>
    %eq3A_150 = arith.cmpi eq, %iota3A, %eq3A_149 : vector<128x12032xi32>
    %jit3A_151 = arith.constant 3.000000e+38 : f32
    %broadcast_in_dim3A_152 = vector.broadcast %jit3A_151 : f32 to vector<128x12032xf32>
    %select_n3A_153 = arith.select %eq3A_150, %broadcast_in_dim3A_152, %select_n3A_131 : vector<128x12032xi1>, vector<128x12032xf32>
    %reduce_min3A_154 = arith.constant dense<0x7F800000> : vector<128xf32>
    %reduce_min3A_155 = vector.multi_reduction <minimumf>, %select_n3A_153, %reduce_min3A_154 [1] : vector<128x12032xf32> to vector<128xf32>
    %broadcast_in_dim3A_156 = vector.shape_cast %reduce_min3A_155 : vector<128xf32> to vector<128x1xf32>
    %le3A_157 = vector.broadcast %broadcast_in_dim3A_156 : vector<128x1xf32> to vector<128x12032xf32>
    %le3A_158 = arith.cmpf ole, %select_n3A_153, %le3A_157 : vector<128x12032xf32>
    %jit3A_159 = arith.constant 1073741824 : i32
    %broadcast_in_dim3A_160 = vector.broadcast %jit3A_159 : i32 to vector<128x12032xi32>
    %select_n3A_161 = arith.select %le3A_158, %iota3A, %broadcast_in_dim3A_160 : vector<128x12032xi1>, vector<128x12032xi32>
    %reduce_min3A_162 = arith.constant dense<2147483647> : vector<128xi32>
    %reduce_min3A_163 = vector.multi_reduction <minsi>, %select_n3A_161, %reduce_min3A_162 [1] : vector<128x12032xi32> to vector<128xi32>
    %broadcast_in_dim3A_164 = vector.shape_cast %reduce_min3A_163 : vector<128xi32> to vector<128x1xi32>
    %swap3A_165 = arith.constant 0 : index
    %swap3A_166 = arith.constant 6 : index
    %swap3A_167 = vector.load %arg5[%swap3A_165, %swap3A_166] : memref<128x128xi32, #tpu.memory_space<vmem>>, vector<128x1xi32>
    tpu.vector_store %arg5[%swap3A_165, %swap3A_166], %broadcast_in_dim3A_164 {strides = array<i32>} : memref<128x128xi32, #tpu.memory_space<vmem>>, vector<128x1xi32>,
    %swap3A_168 = arith.constant 0 : index
    %swap3A_169 = arith.constant 6 : index
    %swap3A_170 = vector.load %arg6[%swap3A_168, %swap3A_169] : memref<128x128xf32, #tpu.memory_space<vmem>>, vector<128x1xf32>
    tpu.vector_store %arg6[%swap3A_168, %swap3A_169], %broadcast_in_dim3A_156 {strides = array<i32>} : memref<128x128xf32, #tpu.memory_space<vmem>>, vector<128x1xf32>,
    %eq3A_171 = vector.broadcast %broadcast_in_dim3A_164 : vector<128x1xi32> to vector<128x12032xi32>
    %eq3A_172 = arith.cmpi eq, %iota3A, %eq3A_171 : vector<128x12032xi32>
    %jit3A_173 = arith.constant 3.000000e+38 : f32
    %broadcast_in_dim3A_174 = vector.broadcast %jit3A_173 : f32 to vector<128x12032xf32>
    %select_n3A_175 = arith.select %eq3A_172, %broadcast_in_dim3A_174, %select_n3A_153 : vector<128x12032xi1>, vector<128x12032xf32>
    %reduce_min3A_176 = arith.constant dense<0x7F800000> : vector<128xf32>
    %reduce_min3A_177 = vector.multi_reduction <minimumf>, %select_n3A_175, %reduce_min3A_176 [1] : vector<128x12032xf32> to vector<128xf32>
    %broadcast_in_dim3A_178 = vector.shape_cast %reduce_min3A_177 : vector<128xf32> to vector<128x1xf32>
    %le3A_179 = vector.broadcast %broadcast_in_dim3A_178 : vector<128x1xf32> to vector<128x12032xf32>
    %le3A_180 = arith.cmpf ole, %select_n3A_175, %le3A_179 : vector<128x12032xf32>
    %jit3A_181 = arith.constant 1073741824 : i32
    %broadcast_in_dim3A_182 = vector.broadcast %jit3A_181 : i32 to vector<128x12032xi32>
    %select_n3A_183 = arith.select %le3A_180, %iota3A, %broadcast_in_dim3A_182 : vector<128x12032xi1>, vector<128x12032xi32>
    %reduce_min3A_184 = arith.constant dense<2147483647> : vector<128xi32>
    %reduce_min3A_185 = vector.multi_reduction <minsi>, %select_n3A_183, %reduce_min3A_184 [1] : vector<128x12032xi32> to vector<128xi32>
    %broadcast_in_dim3A_186 = vector.shape_cast %reduce_min3A_185 : vector<128xi32> to vector<128x1xi32>
    %swap3A_187 = arith.constant 0 : index
    %swap3A_188 = arith.constant 7 : index
    %swap3A_189 = vector.load %arg5[%swap3A_187, %swap3A_188] : memref<128x128xi32, #tpu.memory_space<vmem>>, vector<128x1xi32>
    tpu.vector_store %arg5[%swap3A_187, %swap3A_188], %broadcast_in_dim3A_186 {strides = array<i32>} : memref<128x128xi32, #tpu.memory_space<vmem>>, vector<128x1xi32>,
    %swap3A_190 = arith.constant 0 : index
    %swap3A_191 = arith.constant 7 : index
    %swap3A_192 = vector.load %arg6[%swap3A_190, %swap3A_191] : memref<128x128xf32, #tpu.memory_space<vmem>>, vector<128x1xf32>
    tpu.vector_store %arg6[%swap3A_190, %swap3A_191], %broadcast_in_dim3A_178 {strides = array<i32>} : memref<128x128xf32, #tpu.memory_space<vmem>>, vector<128x1xf32>,
    %eq3A_193 = vector.broadcast %broadcast_in_dim3A_186 : vector<128x1xi32> to vector<128x12032xi32>
    %eq3A_194 = arith.cmpi eq, %iota3A, %eq3A_193 : vector<128x12032xi32>
    %jit3A_195 = arith.constant 3.000000e+38 : f32
    %broadcast_in_dim3A_196 = vector.broadcast %jit3A_195 : f32 to vector<128x12032xf32>
    %select_n3A_197 = arith.select %eq3A_194, %broadcast_in_dim3A_196, %select_n3A_175 : vector<128x12032xi1>, vector<128x12032xf32>
    %reduce_min3A_198 = arith.constant dense<0x7F800000> : vector<128xf32>
    %reduce_min3A_199 = vector.multi_reduction <minimumf>, %select_n3A_197, %reduce_min3A_198 [1] : vector<128x12032xf32> to vector<128xf32>
    %broadcast_in_dim3A_200 = vector.shape_cast %reduce_min3A_199 : vector<128xf32> to vector<128x1xf32>
    %le3A_201 = vector.broadcast %broadcast_in_dim3A_200 : vector<128x1xf32> to vector<128x12032xf32>
    %le3A_202 = arith.cmpf ole, %select_n3A_197, %le3A_201 : vector<128x12032xf32>
    %jit3A_203 = arith.constant 1073741824 : i32
    %broadcast_in_dim3A_204 = vector.broadcast %jit3A_203 : i32 to vector<128x12032xi32>
    %select_n3A_205 = arith.select %le3A_202, %iota3A, %broadcast_in_dim3A_204 : vector<128x12032xi1>, vector<128x12032xi32>
    %reduce_min3A_206 = arith.constant dense<2147483647> : vector<128xi32>
    %reduce_min3A_207 = vector.multi_reduction <minsi>, %select_n3A_205, %reduce_min3A_206 [1] : vector<128x12032xi32> to vector<128xi32>
    %broadcast_in_dim3A_208 = vector.shape_cast %reduce_min3A_207 : vector<128xi32> to vector<128x1xi32>
    %swap3A_209 = arith.constant 0 : index
    %swap3A_210 = arith.constant 8 : index
    %swap3A_211 = vector.load %arg5[%swap3A_209, %swap3A_210] : memref<128x128xi32, #tpu.memory_space<vmem>>, vector<128x1xi32>
    tpu.vector_store %arg5[%swap3A_209, %swap3A_210], %broadcast_in_dim3A_208 {strides = array<i32>} : memref<128x128xi32, #tpu.memory_space<vmem>>, vector<128x1xi32>,
    %swap3A_212 = arith.constant 0 : index
    %swap3A_213 = arith.constant 8 : index
    %swap3A_214 = vector.load %arg6[%swap3A_212, %swap3A_213] : memref<128x128xf32, #tpu.memory_space<vmem>>, vector<128x1xf32>
    tpu.vector_store %arg6[%swap3A_212, %swap3A_213], %broadcast_in_dim3A_200 {strides = array<i32>} : memref<128x128xf32, #tpu.memory_space<vmem>>, vector<128x1xf32>,
    %eq3A_215 = vector.broadcast %broadcast_in_dim3A_208 : vector<128x1xi32> to vector<128x12032xi32>
    %eq3A_216 = arith.cmpi eq, %iota3A, %eq3A_215 : vector<128x12032xi32>
    %jit3A_217 = arith.constant 3.000000e+38 : f32
    %broadcast_in_dim3A_218 = vector.broadcast %jit3A_217 : f32 to vector<128x12032xf32>
    %select_n3A_219 = arith.select %eq3A_216, %broadcast_in_dim3A_218, %select_n3A_197 : vector<128x12032xi1>, vector<128x12032xf32>
    %reduce_min3A_220 = arith.constant dense<0x7F800000> : vector<128xf32>
    %reduce_min3A_221 = vector.multi_reduction <minimumf>, %select_n3A_219, %reduce_min3A_220 [1] : vector<128x12032xf32> to vector<128xf32>
    %broadcast_in_dim3A_222 = vector.shape_cast %reduce_min3A_221 : vector<128xf32> to vector<128x1xf32>
    %le3A_223 = vector.broadcast %broadcast_in_dim3A_222 : vector<128x1xf32> to vector<128x12032xf32>
    %le3A_224 = arith.cmpf ole, %select_n3A_219, %le3A_223 : vector<128x12032xf32>
    %jit3A_225 = arith.constant 1073741824 : i32
    %broadcast_in_dim3A_226 = vector.broadcast %jit3A_225 : i32 to vector<128x12032xi32>
    %select_n3A_227 = arith.select %le3A_224, %iota3A, %broadcast_in_dim3A_226 : vector<128x12032xi1>, vector<128x12032xi32>
    %reduce_min3A_228 = arith.constant dense<2147483647> : vector<128xi32>
    %reduce_min3A_229 = vector.multi_reduction <minsi>, %select_n3A_227, %reduce_min3A_228 [1] : vector<128x12032xi32> to vector<128xi32>
    %broadcast_in_dim3A_230 = vector.shape_cast %reduce_min3A_229 : vector<128xi32> to vector<128x1xi32>
    %swap3A_231 = arith.constant 0 : index
    %swap3A_232 = arith.constant 9 : index
    %swap3A_233 = vector.load %arg5[%swap3A_231, %swap3A_232] : memref<128x128xi32, #tpu.memory_space<vmem>>, vector<128x1xi32>
    tpu.vector_store %arg5[%swap3A_231, %swap3A_232], %broadcast_in_dim3A_230 {strides = array<i32>} : memref<128x128xi32, #tpu.memory_space<vmem>>, vector<128x1xi32>,
    %swap3A_234 = arith.constant 0 : index
    %swap3A_235 = arith.constant 9 : index
    %swap3A_236 = vector.load %arg6[%swap3A_234, %swap3A_235] : memref<128x128xf32, #tpu.memory_space<vmem>>, vector<128x1xf32>
    tpu.vector_store %arg6[%swap3A_234, %swap3A_235], %broadcast_in_dim3A_222 {strides = array<i32>} : memref<128x128xf32, #tpu.memory_space<vmem>>, vector<128x1xf32>,
    %eq3A_237 = vector.broadcast %broadcast_in_dim3A_230 : vector<128x1xi32> to vector<128x12032xi32>
    %eq3A_238 = arith.cmpi eq, %iota3A, %eq3A_237 : vector<128x12032xi32>
    %jit3A_239 = arith.constant 3.000000e+38 : f32
    %broadcast_in_dim3A_240 = vector.broadcast %jit3A_239 : f32 to vector<128x12032xf32>
    %select_n3A_241 = arith.select %eq3A_238, %broadcast_in_dim3A_240, %select_n3A_219 : vector<128x12032xi1>, vector<128x12032xf32>
    %reduce_min3A_242 = arith.constant dense<0x7F800000> : vector<128xf32>
    %reduce_min3A_243 = vector.multi_reduction <minimumf>, %select_n3A_241, %reduce_min3A_242 [1] : vector<128x12032xf32> to vector<128xf32>
    %broadcast_in_dim3A_244 = vector.shape_cast %reduce_min3A_243 : vector<128xf32> to vector<128x1xf32>
    %le3A_245 = vector.broadcast %broadcast_in_dim3A_244 : vector<128x1xf32> to vector<128x12032xf32>
    %le3A_246 = arith.cmpf ole, %select_n3A_241, %le3A_245 : vector<128x12032xf32>
    %jit3A_247 = arith.constant 1073741824 : i32
    %broadcast_in_dim3A_248 = vector.broadcast %jit3A_247 : i32 to vector<128x12032xi32>
    %select_n3A_249 = arith.select %le3A_246, %iota3A, %broadcast_in_dim3A_248 : vector<128x12032xi1>, vector<128x12032xi32>
    %reduce_min3A_250 = arith.constant dense<2147483647> : vector<128xi32>
    %reduce_min3A_251 = vector.multi_reduction <minsi>, %select_n3A_249, %reduce_min3A_250 [1] : vector<128x12032xi32> to vector<128xi32>
    %broadcast_in_dim3A_252 = vector.shape_cast %reduce_min3A_251 : vector<128xi32> to vector<128x1xi32>
    %swap3A_253 = arith.constant 0 : index
    %swap3A_254 = arith.constant 10 : index
    %swap3A_255 = vector.load %arg5[%swap3A_253, %swap3A_254] : memref<128x128xi32, #tpu.memory_space<vmem>>, vector<128x1xi32>
    tpu.vector_store %arg5[%swap3A_253, %swap3A_254], %broadcast_in_dim3A_252 {strides = array<i32>} : memref<128x128xi32, #tpu.memory_space<vmem>>, vector<128x1xi32>,
    %swap3A_256 = arith.constant 0 : index
    %swap3A_257 = arith.constant 10 : index
    %swap3A_258 = vector.load %arg6[%swap3A_256, %swap3A_257] : memref<128x128xf32, #tpu.memory_space<vmem>>, vector<128x1xf32>
    tpu.vector_store %arg6[%swap3A_256, %swap3A_257], %broadcast_in_dim3A_244 {strides = array<i32>} : memref<128x128xf32, #tpu.memory_space<vmem>>, vector<128x1xf32>,
    %eq3A_259 = vector.broadcast %broadcast_in_dim3A_252 : vector<128x1xi32> to vector<128x12032xi32>
    %eq3A_260 = arith.cmpi eq, %iota3A, %eq3A_259 : vector<128x12032xi32>
    %jit3A_261 = arith.constant 3.000000e+38 : f32
    %broadcast_in_dim3A_262 = vector.broadcast %jit3A_261 : f32 to vector<128x12032xf32>
    %select_n3A_263 = arith.select %eq3A_260, %broadcast_in_dim3A_262, %select_n3A_241 : vector<128x12032xi1>, vector<128x12032xf32>
    %reduce_min3A_264 = arith.constant dense<0x7F800000> : vector<128xf32>
    %reduce_min3A_265 = vector.multi_reduction <minimumf>, %select_n3A_263, %reduce_min3A_264 [1] : vector<128x12032xf32> to vector<128xf32>
    %broadcast_in_dim3A_266 = vector.shape_cast %reduce_min3A_265 : vector<128xf32> to vector<128x1xf32>
    %le3A_267 = vector.broadcast %broadcast_in_dim3A_266 : vector<128x1xf32> to vector<128x12032xf32>
    %le3A_268 = arith.cmpf ole, %select_n3A_263, %le3A_267 : vector<128x12032xf32>
    %jit3A_269 = arith.constant 1073741824 : i32
    %broadcast_in_dim3A_270 = vector.broadcast %jit3A_269 : i32 to vector<128x12032xi32>
    %select_n3A_271 = arith.select %le3A_268, %iota3A, %broadcast_in_dim3A_270 : vector<128x12032xi1>, vector<128x12032xi32>
    %reduce_min3A_272 = arith.constant dense<2147483647> : vector<128xi32>
    %reduce_min3A_273 = vector.multi_reduction <minsi>, %select_n3A_271, %reduce_min3A_272 [1] : vector<128x12032xi32> to vector<128xi32>
    %broadcast_in_dim3A_274 = vector.shape_cast %reduce_min3A_273 : vector<128xi32> to vector<128x1xi32>
    %swap3A_275 = arith.constant 0 : index
    %swap3A_276 = arith.constant 11 : index
    %swap3A_277 = vector.load %arg5[%swap3A_275, %swap3A_276] : memref<128x128xi32, #tpu.memory_space<vmem>>, vector<128x1xi32>
    tpu.vector_store %arg5[%swap3A_275, %swap3A_276], %broadcast_in_dim3A_274 {strides = array<i32>} : memref<128x128xi32, #tpu.memory_space<vmem>>, vector<128x1xi32>,
    %swap3A_278 = arith.constant 0 : index
    %swap3A_279 = arith.constant 11 : index
    %swap3A_280 = vector.load %arg6[%swap3A_278, %swap3A_279] : memref<128x128xf32, #tpu.memory_space<vmem>>, vector<128x1xf32>
    tpu.vector_store %arg6[%swap3A_278, %swap3A_279], %broadcast_in_dim3A_266 {strides = array<i32>} : memref<128x128xf32, #tpu.memory_space<vmem>>, vector<128x1xf32>,
    %eq3A_281 = vector.broadcast %broadcast_in_dim3A_274 : vector<128x1xi32> to vector<128x12032xi32>
    %eq3A_282 = arith.cmpi eq, %iota3A, %eq3A_281 : vector<128x12032xi32>
    %jit3A_283 = arith.constant 3.000000e+38 : f32
    %broadcast_in_dim3A_284 = vector.broadcast %jit3A_283 : f32 to vector<128x12032xf32>
    %select_n3A_285 = arith.select %eq3A_282, %broadcast_in_dim3A_284, %select_n3A_263 : vector<128x12032xi1>, vector<128x12032xf32>
    %reduce_min3A_286 = arith.constant dense<0x7F800000> : vector<128xf32>
    %reduce_min3A_287 = vector.multi_reduction <minimumf>, %select_n3A_285, %reduce_min3A_286 [1] : vector<128x12032xf32> to vector<128xf32>
    %broadcast_in_dim3A_288 = vector.shape_cast %reduce_min3A_287 : vector<128xf32> to vector<128x1xf32>
    %le3A_289 = vector.broadcast %broadcast_in_dim3A_288 : vector<128x1xf32> to vector<128x12032xf32>
    %le3A_290 = arith.cmpf ole, %select_n3A_285, %le3A_289 : vector<128x12032xf32>
    %jit3A_291 = arith.constant 1073741824 : i32
    %broadcast_in_dim3A_292 = vector.broadcast %jit3A_291 : i32 to vector<128x12032xi32>
    %select_n3A_293 = arith.select %le3A_290, %iota3A, %broadcast_in_dim3A_292 : vector<128x12032xi1>, vector<128x12032xi32>
    %reduce_min3A_294 = arith.constant dense<2147483647> : vector<128xi32>
    %reduce_min3A_295 = vector.multi_reduction <minsi>, %select_n3A_293, %reduce_min3A_294 [1] : vector<128x12032xi32> to vector<128xi32>
    %broadcast_in_dim3A_296 = vector.shape_cast %reduce_min3A_295 : vector<128xi32> to vector<128x1xi32>
    %swap3A_297 = arith.constant 0 : index
    %swap3A_298 = arith.constant 12 : index
    %swap3A_299 = vector.load %arg5[%swap3A_297, %swap3A_298] : memref<128x128xi32, #tpu.memory_space<vmem>>, vector<128x1xi32>
    tpu.vector_store %arg5[%swap3A_297, %swap3A_298], %broadcast_in_dim3A_296 {strides = array<i32>} : memref<128x128xi32, #tpu.memory_space<vmem>>, vector<128x1xi32>,
    %swap3A_300 = arith.constant 0 : index
    %swap3A_301 = arith.constant 12 : index
    %swap3A_302 = vector.load %arg6[%swap3A_300, %swap3A_301] : memref<128x128xf32, #tpu.memory_space<vmem>>, vector<128x1xf32>
    tpu.vector_store %arg6[%swap3A_300, %swap3A_301], %broadcast_in_dim3A_288 {strides = array<i32>} : memref<128x128xf32, #tpu.memory_space<vmem>>, vector<128x1xf32>,
    %eq3A_303 = vector.broadcast %broadcast_in_dim3A_296 : vector<128x1xi32> to vector<128x12032xi32>
    %eq3A_304 = arith.cmpi eq, %iota3A, %eq3A_303 : vector<128x12032xi32>
    %jit3A_305 = arith.constant 3.000000e+38 : f32
    %broadcast_in_dim3A_306 = vector.broadcast %jit3A_305 : f32 to vector<128x12032xf32>
    %select_n3A_307 = arith.select %eq3A_304, %broadcast_in_dim3A_306, %select_n3A_285 : vector<128x12032xi1>, vector<128x12032xf32>
    %reduce_min3A_308 = arith.constant dense<0x7F800000> : vector<128xf32>
    %reduce_min3A_309 = vector.multi_reduction <minimumf>, %select_n3A_307, %reduce_min3A_308 [1] : vector<128x12032xf32> to vector<128xf32>
    %broadcast_in_dim3A_310 = vector.shape_cast %reduce_min3A_309 : vector<128xf32> to vector<128x1xf32>
    %le3A_311 = vector.broadcast %broadcast_in_dim3A_310 : vector<128x1xf32> to vector<128x12032xf32>
    %le3A_312 = arith.cmpf ole, %select_n3A_307, %le3A_311 : vector<128x12032xf32>
    %jit3A_313 = arith.constant 1073741824 : i32
    %broadcast_in_dim3A_314 = vector.broadcast %jit3A_313 : i32 to vector<128x12032xi32>
    %select_n3A_315 = arith.select %le3A_312, %iota3A, %broadcast_in_dim3A_314 : vector<128x12032xi1>, vector<128x12032xi32>
    %reduce_min3A_316 = arith.constant dense<2147483647> : vector<128xi32>
    %reduce_min3A_317 = vector.multi_reduction <minsi>, %select_n3A_315, %reduce_min3A_316 [1] : vector<128x12032xi32> to vector<128xi32>
    %broadcast_in_dim3A_318 = vector.shape_cast %reduce_min3A_317 : vector<128xi32> to vector<128x1xi32>
    %swap3A_319 = arith.constant 0 : index
    %swap3A_320 = arith.constant 13 : index
    %swap3A_321 = vector.load %arg5[%swap3A_319, %swap3A_320] : memref<128x128xi32, #tpu.memory_space<vmem>>, vector<128x1xi32>
    tpu.vector_store %arg5[%swap3A_319, %swap3A_320], %broadcast_in_dim3A_318 {strides = array<i32>} : memref<128x128xi32, #tpu.memory_space<vmem>>, vector<128x1xi32>,
    %swap3A_322 = arith.constant 0 : index
    %swap3A_323 = arith.constant 13 : index
    %swap3A_324 = vector.load %arg6[%swap3A_322, %swap3A_323] : memref<128x128xf32, #tpu.memory_space<vmem>>, vector<128x1xf32>
    tpu.vector_store %arg6[%swap3A_322, %swap3A_323], %broadcast_in_dim3A_310 {strides = array<i32>} : memref<128x128xf32, #tpu.memory_space<vmem>>, vector<128x1xf32>,
    %eq3A_325 = vector.broadcast %broadcast_in_dim3A_318 : vector<128x1xi32> to vector<128x12032xi32>
    %eq3A_326 = arith.cmpi eq, %iota3A, %eq3A_325 : vector<128x12032xi32>
    %jit3A_327 = arith.constant 3.000000e+38 : f32
    %broadcast_in_dim3A_328 = vector.broadcast %jit3A_327 : f32 to vector<128x12032xf32>
    %select_n3A_329 = arith.select %eq3A_326, %broadcast_in_dim3A_328, %select_n3A_307 : vector<128x12032xi1>, vector<128x12032xf32>
    %reduce_min3A_330 = arith.constant dense<0x7F800000> : vector<128xf32>
    %reduce_min3A_331 = vector.multi_reduction <minimumf>, %select_n3A_329, %reduce_min3A_330 [1] : vector<128x12032xf32> to vector<128xf32>
    %broadcast_in_dim3A_332 = vector.shape_cast %reduce_min3A_331 : vector<128xf32> to vector<128x1xf32>
    %le3A_333 = vector.broadcast %broadcast_in_dim3A_332 : vector<128x1xf32> to vector<128x12032xf32>
    %le3A_334 = arith.cmpf ole, %select_n3A_329, %le3A_333 : vector<128x12032xf32>
    %jit3A_335 = arith.constant 1073741824 : i32
    %broadcast_in_dim3A_336 = vector.broadcast %jit3A_335 : i32 to vector<128x12032xi32>
    %select_n3A_337 = arith.select %le3A_334, %iota3A, %broadcast_in_dim3A_336 : vector<128x12032xi1>, vector<128x12032xi32>
    %reduce_min3A_338 = arith.constant dense<2147483647> : vector<128xi32>
    %reduce_min3A_339 = vector.multi_reduction <minsi>, %select_n3A_337, %reduce_min3A_338 [1] : vector<128x12032xi32> to vector<128xi32>
    %broadcast_in_dim3A_340 = vector.shape_cast %reduce_min3A_339 : vector<128xi32> to vector<128x1xi32>
    %swap3A_341 = arith.constant 0 : index
    %swap3A_342 = arith.constant 14 : index
    %swap3A_343 = vector.load %arg5[%swap3A_341, %swap3A_342] : memref<128x128xi32, #tpu.memory_space<vmem>>, vector<128x1xi32>
    tpu.vector_store %arg5[%swap3A_341, %swap3A_342], %broadcast_in_dim3A_340 {strides = array<i32>} : memref<128x128xi32, #tpu.memory_space<vmem>>, vector<128x1xi32>,
    %swap3A_344 = arith.constant 0 : index
    %swap3A_345 = arith.constant 14 : index
    %swap3A_346 = vector.load %arg6[%swap3A_344, %swap3A_345] : memref<128x128xf32, #tpu.memory_space<vmem>>, vector<128x1xf32>
    tpu.vector_store %arg6[%swap3A_344, %swap3A_345], %broadcast_in_dim3A_332 {strides = array<i32>} : memref<128x128xf32, #tpu.memory_space<vmem>>, vector<128x1xf32>,
    %eq3A_347 = vector.broadcast %broadcast_in_dim3A_340 : vector<128x1xi32> to vector<128x12032xi32>
    %eq3A_348 = arith.cmpi eq, %iota3A, %eq3A_347 : vector<128x12032xi32>
    %jit3A_349 = arith.constant 3.000000e+38 : f32
    %broadcast_in_dim3A_350 = vector.broadcast %jit3A_349 : f32 to vector<128x12032xf32>
    %select_n3A_351 = arith.select %eq3A_348, %broadcast_in_dim3A_350, %select_n3A_329 : vector<128x12032xi1>, vector<128x12032xf32>
    %reduce_min3A_352 = arith.constant dense<0x7F800000> : vector<128xf32>
    %reduce_min3A_353 = vector.multi_reduction <minimumf>, %select_n3A_351, %reduce_min3A_352 [1] : vector<128x12032xf32> to vector<128xf32>
    %broadcast_in_dim3A_354 = vector.shape_cast %reduce_min3A_353 : vector<128xf32> to vector<128x1xf32>
    %le3A_355 = vector.broadcast %broadcast_in_dim3A_354 : vector<128x1xf32> to vector<128x12032xf32>
    %le3A_356 = arith.cmpf ole, %select_n3A_351, %le3A_355 : vector<128x12032xf32>
    %jit3A_357 = arith.constant 1073741824 : i32
    %broadcast_in_dim3A_358 = vector.broadcast %jit3A_357 : i32 to vector<128x12032xi32>
    %select_n3A_359 = arith.select %le3A_356, %iota3A, %broadcast_in_dim3A_358 : vector<128x12032xi1>, vector<128x12032xi32>
    %reduce_min3A_360 = arith.constant dense<2147483647> : vector<128xi32>
    %reduce_min3A_361 = vector.multi_reduction <minsi>, %select_n3A_359, %reduce_min3A_360 [1] : vector<128x12032xi32> to vector<128xi32>
    %broadcast_in_dim3A_362 = vector.shape_cast %reduce_min3A_361 : vector<128xi32> to vector<128x1xi32>
    %swap3A_363 = arith.constant 0 : index
    %swap3A_364 = arith.constant 15 : index
    %swap3A_365 = vector.load %arg5[%swap3A_363, %swap3A_364] : memref<128x128xi32, #tpu.memory_space<vmem>>, vector<128x1xi32>
    tpu.vector_store %arg5[%swap3A_363, %swap3A_364], %broadcast_in_dim3A_362 {strides = array<i32>} : memref<128x128xi32, #tpu.memory_space<vmem>>, vector<128x1xi32>,
    %swap3A_366 = arith.constant 0 : index
    %swap3A_367 = arith.constant 15 : index
    %swap3A_368 = vector.load %arg6[%swap3A_366, %swap3A_367] : memref<128x128xf32, #tpu.memory_space<vmem>>, vector<128x1xf32>
    tpu.vector_store %arg6[%swap3A_366, %swap3A_367], %broadcast_in_dim3A_354 {strides = array<i32>} : memref<128x128xf32, #tpu.memory_space<vmem>>, vector<128x1xf32>,
    return
  }
  func.func @transform_0(%arg0: i32) -> (i32, i32) {
    %c0_i32 = arith.constant 0 : i32
    %c0_i32_0 = arith.constant 0 : i32
    return %arg0, %c0_i32 : i32, i32
  }
  func.func @transform_1(%arg0: i32) -> (i32, i32) {
    %c0_i32 = arith.constant 0 : i32
    %c0_i32_0 = arith.constant 0 : i32
    %c0_i32_1 = arith.constant 0 : i32
    return %c0_i32, %c0_i32_0 : i32, i32
  }
  func.func @transform_2(%arg0: i32) -> (i32, i32) {
    %c0_i32 = arith.constant 0 : i32
    %c0_i32_0 = arith.constant 0 : i32
    %c0_i32_1 = arith.constant 0 : i32
    return %c0_i32, %c0_i32_0 : i32, i32
  }
  func.func @transform_3(%arg0: i32) -> (i32, i32) {
    %c0_i32 = arith.constant 0 : i32
    %c0_i32_0 = arith.constant 0 : i32
    %c0_i32_1 = arith.constant 0 : i32
    return %c0_i32, %c0_i32_0 : i32, i32
  }
  func.func @transform_4(%arg0: i32) -> (i32, i32) {
    %c0_i32 = arith.constant 0 : i32
    %c0_i32_0 = arith.constant 0 : i32
    return %arg0, %c0_i32 : i32, i32
  }
  func.func @transform_5(%arg0: i32) -> (i32, i32) {
    %c0_i32 = arith.constant 0 : i32
    %c0_i32_0 = arith.constant 0 : i32
    return %arg0, %c0_i32 : i32, i32
  }
}

module attributes {stable_mosaic.version = 14 : i64} {
  func.func @_mlp_kernel(%arg0: i32, %arg1: memref<16x128x128xf32, #tpu.memory_space<vmem>>, %arg2: memref<128x128xf32, #tpu.memory_space<vmem>>, %arg3: memref<128x64xf32, #tpu.memory_space<vmem>>, %arg4: memref<8x128xf32, #tpu.memory_space<vmem>>, %arg5: memref<64x64xf32, #tpu.memory_space<vmem>>, %arg6: memref<8x128xf32, #tpu.memory_space<vmem>>, %arg7: memref<128x64xf32, #tpu.memory_space<vmem>>) attributes {dimension_semantics = [#tpu.dimension_semantics<arbitrary>], iteration_bounds = array<i64: 8>, scalar_prefetch = 0 : i64, scratch_operands = 0 : i64, tpu.core_type = #tpu.core_type<tc>, window_params = [{transform_indices = @transform_0, window_bounds = array<i64: 16, 128, 128>}, {transform_indices = @transform_1, window_bounds = array<i64: 128, 128>}, {pipeline_mode = #tpu.pipeline_mode<synchronous>, transform_indices = @transform_2, window_bounds = array<i64: 128, 64>}, {pipeline_mode = #tpu.pipeline_mode<synchronous>, transform_indices = @transform_3, window_bounds = array<i64: 8, 128>}, {pipeline_mode = #tpu.pipeline_mode<synchronous>, transform_indices = @transform_4, window_bounds = array<i64: 64, 64>}, {pipeline_mode = #tpu.pipeline_mode<synchronous>, transform_indices = @transform_5, window_bounds = array<i64: 8, 128>}, {transform_indices = @transform_6, window_bounds = array<i64: 128, 64>}]} {
    %get3A = arith.constant 0 : index
    %get3A_0 = arith.constant 0 : index
    %get3A_1 = vector.load %arg3[%get3A, %get3A_0] : memref<128x64xf32, #tpu.memory_space<vmem>>, vector<128x64xf32>
    %get3A_2 = arith.constant 0 : index
    %get3A_3 = arith.constant 0 : index
    %get3A_4 = vector.load %arg5[%get3A_2, %get3A_3] : memref<64x64xf32, #tpu.memory_space<vmem>>, vector<64x64xf32>
    %get3A_5 = arith.constant 0 : index
    %get3A_6 = arith.constant 0 : index
    %get3A_7 = vector.load %arg4[%get3A_5, %get3A_6] : memref<8x128xf32, #tpu.memory_space<vmem>>, vector<1x64xf32>
    %get3A_8 = arith.constant 0 : index
    %get3A_9 = arith.constant 0 : index
    %get3A_10 = vector.load %arg6[%get3A_8, %get3A_9] : memref<8x128xf32, #tpu.memory_space<vmem>>, vector<1x64xf32>
    %get3A_11 = arith.constant 0 : index
    %get3A_12 = arith.constant 0 : index
    %get3A_13 = arith.constant 0 : index
    %get3A_14 = vector.load %arg1[%get3A_11, %get3A_12, %get3A_13] : memref<16x128x128xf32, #tpu.memory_space<vmem>>, vector<1x128x128xf32>
    %get3A_15 = vector.shape_cast %get3A_14 : vector<1x128x128xf32> to vector<128x128xf32>
    %dot_general3A = arith.constant dense<0.000000e+00> : vector<128x64xf32>
    %dot_general3A_16 = tpu.matmul %get3A_15, %get3A_1, %dot_general3A {dimension_numbers = #tpu.dot_dimension_numbers<[1], [0], [0], [1], [0, 0, 1, 1], [], []>, transpose_lhs_hint = false} : vector<128x128xf32>, vector<128x64xf32>, vector<128x64xf32> -> vector<128x64xf32>
    %add3A = vector.broadcast %get3A_7 : vector<1x64xf32> to vector<128x64xf32>
    %add3A_17 = arith.addf %dot_general3A_16, %add3A : vector<128x64xf32>
    %max3A = arith.constant 0.000000e+00 : f32
    %max3A_18 = vector.broadcast %max3A : f32 to vector<128x64xf32>
    %max3A_19 = arith.maximumf %add3A_17, %max3A_18 : vector<128x64xf32>
    %dot_general3A_20 = arith.constant dense<0.000000e+00> : vector<128x64xf32>
    %dot_general3A_21 = tpu.matmul %max3A_19, %get3A_4, %dot_general3A_20 {dimension_numbers = #tpu.dot_dimension_numbers<[1], [0], [0], [1], [0, 0, 1, 1], [], []>, transpose_lhs_hint = false} : vector<128x64xf32>, vector<64x64xf32>, vector<128x64xf32> -> vector<128x64xf32>
    %add3A_22 = vector.broadcast %get3A_10 : vector<1x64xf32> to vector<128x64xf32>
    %add3A_23 = arith.addf %dot_general3A_21, %add3A_22 : vector<128x64xf32>
    %max3A_24 = arith.constant 0.000000e+00 : f32
    %max3A_25 = vector.broadcast %max3A_24 : f32 to vector<128x64xf32>
    %max3A_26 = arith.maximumf %add3A_23, %max3A_25 : vector<128x64xf32>
    %get3A_27 = arith.constant 0 : index
    %get3A_28 = arith.constant 0 : index
    %get3A_29 = vector.load %arg2[%get3A_27, %get3A_28] : memref<128x128xf32, #tpu.memory_space<vmem>>, vector<128x1xf32>
    %le3A = arith.constant 1.440000e+00 : f32
    %le3A_30 = vector.broadcast %le3A : f32 to vector<128x1xf32>
    %le3A_31 = arith.cmpf ole, %get3A_29, %le3A_30 : vector<128x1xf32>
    %convert_element_type3A = arith.extui %le3A_31 : vector<128x1xi1> to vector<128x1xi32>
    %convert_element_type3A_32 = arith.sitofp %convert_element_type3A : vector<128x1xi32> to vector<128x1xf32>
    %mul3A = vector.broadcast %convert_element_type3A_32 : vector<128x1xf32> to vector<128x64xf32>
    %mul3A_33 = arith.mulf %max3A_26, %mul3A : vector<128x64xf32>
    %get3A_34 = arith.constant 1 : index
    %get3A_35 = arith.constant 0 : index
    %get3A_36 = arith.constant 0 : index
    %get3A_37 = vector.load %arg1[%get3A_34, %get3A_35, %get3A_36] : memref<16x128x128xf32, #tpu.memory_space<vmem>>, vector<1x128x128xf32>
    %get3A_38 = vector.shape_cast %get3A_37 : vector<1x128x128xf32> to vector<128x128xf32>
    %dot_general3A_39 = arith.constant dense<0.000000e+00> : vector<128x64xf32>
    %dot_general3A_40 = tpu.matmul %get3A_38, %get3A_1, %dot_general3A_39 {dimension_numbers = #tpu.dot_dimension_numbers<[1], [0], [0], [1], [0, 0, 1, 1], [], []>, transpose_lhs_hint = false} : vector<128x128xf32>, vector<128x64xf32>, vector<128x64xf32> -> vector<128x64xf32>
    %add3A_41 = vector.broadcast %get3A_7 : vector<1x64xf32> to vector<128x64xf32>
    %add3A_42 = arith.addf %dot_general3A_40, %add3A_41 : vector<128x64xf32>
    %max3A_43 = arith.constant 0.000000e+00 : f32
    %max3A_44 = vector.broadcast %max3A_43 : f32 to vector<128x64xf32>
    %max3A_45 = arith.maximumf %add3A_42, %max3A_44 : vector<128x64xf32>
    %dot_general3A_46 = arith.constant dense<0.000000e+00> : vector<128x64xf32>
    %dot_general3A_47 = tpu.matmul %max3A_45, %get3A_4, %dot_general3A_46 {dimension_numbers = #tpu.dot_dimension_numbers<[1], [0], [0], [1], [0, 0, 1, 1], [], []>, transpose_lhs_hint = false} : vector<128x64xf32>, vector<64x64xf32>, vector<128x64xf32> -> vector<128x64xf32>
    %add3A_48 = vector.broadcast %get3A_10 : vector<1x64xf32> to vector<128x64xf32>
    %add3A_49 = arith.addf %dot_general3A_47, %add3A_48 : vector<128x64xf32>
    %max3A_50 = arith.constant 0.000000e+00 : f32
    %max3A_51 = vector.broadcast %max3A_50 : f32 to vector<128x64xf32>
    %max3A_52 = arith.maximumf %add3A_49, %max3A_51 : vector<128x64xf32>
    %get3A_53 = arith.constant 0 : index
    %get3A_54 = arith.constant 1 : index
    %get3A_55 = vector.load %arg2[%get3A_53, %get3A_54] : memref<128x128xf32, #tpu.memory_space<vmem>>, vector<128x1xf32>
    %le3A_56 = arith.constant 1.440000e+00 : f32
    %le3A_57 = vector.broadcast %le3A_56 : f32 to vector<128x1xf32>
    %le3A_58 = arith.cmpf ole, %get3A_55, %le3A_57 : vector<128x1xf32>
    %convert_element_type3A_59 = arith.extui %le3A_58 : vector<128x1xi1> to vector<128x1xi32>
    %convert_element_type3A_60 = arith.sitofp %convert_element_type3A_59 : vector<128x1xi32> to vector<128x1xf32>
    %mul3A_61 = vector.broadcast %convert_element_type3A_60 : vector<128x1xf32> to vector<128x64xf32>
    %mul3A_62 = arith.mulf %max3A_52, %mul3A_61 : vector<128x64xf32>
    %max3A_63 = arith.maximumf %mul3A_33, %mul3A_62 : vector<128x64xf32>
    %get3A_64 = arith.constant 2 : index
    %get3A_65 = arith.constant 0 : index
    %get3A_66 = arith.constant 0 : index
    %get3A_67 = vector.load %arg1[%get3A_64, %get3A_65, %get3A_66] : memref<16x128x128xf32, #tpu.memory_space<vmem>>, vector<1x128x128xf32>
    %get3A_68 = vector.shape_cast %get3A_67 : vector<1x128x128xf32> to vector<128x128xf32>
    %dot_general3A_69 = arith.constant dense<0.000000e+00> : vector<128x64xf32>
    %dot_general3A_70 = tpu.matmul %get3A_68, %get3A_1, %dot_general3A_69 {dimension_numbers = #tpu.dot_dimension_numbers<[1], [0], [0], [1], [0, 0, 1, 1], [], []>, transpose_lhs_hint = false} : vector<128x128xf32>, vector<128x64xf32>, vector<128x64xf32> -> vector<128x64xf32>
    %add3A_71 = vector.broadcast %get3A_7 : vector<1x64xf32> to vector<128x64xf32>
    %add3A_72 = arith.addf %dot_general3A_70, %add3A_71 : vector<128x64xf32>
    %max3A_73 = arith.constant 0.000000e+00 : f32
    %max3A_74 = vector.broadcast %max3A_73 : f32 to vector<128x64xf32>
    %max3A_75 = arith.maximumf %add3A_72, %max3A_74 : vector<128x64xf32>
    %dot_general3A_76 = arith.constant dense<0.000000e+00> : vector<128x64xf32>
    %dot_general3A_77 = tpu.matmul %max3A_75, %get3A_4, %dot_general3A_76 {dimension_numbers = #tpu.dot_dimension_numbers<[1], [0], [0], [1], [0, 0, 1, 1], [], []>, transpose_lhs_hint = false} : vector<128x64xf32>, vector<64x64xf32>, vector<128x64xf32> -> vector<128x64xf32>
    %add3A_78 = vector.broadcast %get3A_10 : vector<1x64xf32> to vector<128x64xf32>
    %add3A_79 = arith.addf %dot_general3A_77, %add3A_78 : vector<128x64xf32>
    %max3A_80 = arith.constant 0.000000e+00 : f32
    %max3A_81 = vector.broadcast %max3A_80 : f32 to vector<128x64xf32>
    %max3A_82 = arith.maximumf %add3A_79, %max3A_81 : vector<128x64xf32>
    %get3A_83 = arith.constant 0 : index
    %get3A_84 = arith.constant 2 : index
    %get3A_85 = vector.load %arg2[%get3A_83, %get3A_84] : memref<128x128xf32, #tpu.memory_space<vmem>>, vector<128x1xf32>
    %le3A_86 = arith.constant 1.440000e+00 : f32
    %le3A_87 = vector.broadcast %le3A_86 : f32 to vector<128x1xf32>
    %le3A_88 = arith.cmpf ole, %get3A_85, %le3A_87 : vector<128x1xf32>
    %convert_element_type3A_89 = arith.extui %le3A_88 : vector<128x1xi1> to vector<128x1xi32>
    %convert_element_type3A_90 = arith.sitofp %convert_element_type3A_89 : vector<128x1xi32> to vector<128x1xf32>
    %mul3A_91 = vector.broadcast %convert_element_type3A_90 : vector<128x1xf32> to vector<128x64xf32>
    %mul3A_92 = arith.mulf %max3A_82, %mul3A_91 : vector<128x64xf32>
    %max3A_93 = arith.maximumf %max3A_63, %mul3A_92 : vector<128x64xf32>
    %get3A_94 = arith.constant 3 : index
    %get3A_95 = arith.constant 0 : index
    %get3A_96 = arith.constant 0 : index
    %get3A_97 = vector.load %arg1[%get3A_94, %get3A_95, %get3A_96] : memref<16x128x128xf32, #tpu.memory_space<vmem>>, vector<1x128x128xf32>
    %get3A_98 = vector.shape_cast %get3A_97 : vector<1x128x128xf32> to vector<128x128xf32>
    %dot_general3A_99 = arith.constant dense<0.000000e+00> : vector<128x64xf32>
    %dot_general3A_100 = tpu.matmul %get3A_98, %get3A_1, %dot_general3A_99 {dimension_numbers = #tpu.dot_dimension_numbers<[1], [0], [0], [1], [0, 0, 1, 1], [], []>, transpose_lhs_hint = false} : vector<128x128xf32>, vector<128x64xf32>, vector<128x64xf32> -> vector<128x64xf32>
    %add3A_101 = vector.broadcast %get3A_7 : vector<1x64xf32> to vector<128x64xf32>
    %add3A_102 = arith.addf %dot_general3A_100, %add3A_101 : vector<128x64xf32>
    %max3A_103 = arith.constant 0.000000e+00 : f32
    %max3A_104 = vector.broadcast %max3A_103 : f32 to vector<128x64xf32>
    %max3A_105 = arith.maximumf %add3A_102, %max3A_104 : vector<128x64xf32>
    %dot_general3A_106 = arith.constant dense<0.000000e+00> : vector<128x64xf32>
    %dot_general3A_107 = tpu.matmul %max3A_105, %get3A_4, %dot_general3A_106 {dimension_numbers = #tpu.dot_dimension_numbers<[1], [0], [0], [1], [0, 0, 1, 1], [], []>, transpose_lhs_hint = false} : vector<128x64xf32>, vector<64x64xf32>, vector<128x64xf32> -> vector<128x64xf32>
    %add3A_108 = vector.broadcast %get3A_10 : vector<1x64xf32> to vector<128x64xf32>
    %add3A_109 = arith.addf %dot_general3A_107, %add3A_108 : vector<128x64xf32>
    %max3A_110 = arith.constant 0.000000e+00 : f32
    %max3A_111 = vector.broadcast %max3A_110 : f32 to vector<128x64xf32>
    %max3A_112 = arith.maximumf %add3A_109, %max3A_111 : vector<128x64xf32>
    %get3A_113 = arith.constant 0 : index
    %get3A_114 = arith.constant 3 : index
    %get3A_115 = vector.load %arg2[%get3A_113, %get3A_114] : memref<128x128xf32, #tpu.memory_space<vmem>>, vector<128x1xf32>
    %le3A_116 = arith.constant 1.440000e+00 : f32
    %le3A_117 = vector.broadcast %le3A_116 : f32 to vector<128x1xf32>
    %le3A_118 = arith.cmpf ole, %get3A_115, %le3A_117 : vector<128x1xf32>
    %convert_element_type3A_119 = arith.extui %le3A_118 : vector<128x1xi1> to vector<128x1xi32>
    %convert_element_type3A_120 = arith.sitofp %convert_element_type3A_119 : vector<128x1xi32> to vector<128x1xf32>
    %mul3A_121 = vector.broadcast %convert_element_type3A_120 : vector<128x1xf32> to vector<128x64xf32>
    %mul3A_122 = arith.mulf %max3A_112, %mul3A_121 : vector<128x64xf32>
    %max3A_123 = arith.maximumf %max3A_93, %mul3A_122 : vector<128x64xf32>
    %get3A_124 = arith.constant 4 : index
    %get3A_125 = arith.constant 0 : index
    %get3A_126 = arith.constant 0 : index
    %get3A_127 = vector.load %arg1[%get3A_124, %get3A_125, %get3A_126] : memref<16x128x128xf32, #tpu.memory_space<vmem>>, vector<1x128x128xf32>
    %get3A_128 = vector.shape_cast %get3A_127 : vector<1x128x128xf32> to vector<128x128xf32>
    %dot_general3A_129 = arith.constant dense<0.000000e+00> : vector<128x64xf32>
    %dot_general3A_130 = tpu.matmul %get3A_128, %get3A_1, %dot_general3A_129 {dimension_numbers = #tpu.dot_dimension_numbers<[1], [0], [0], [1], [0, 0, 1, 1], [], []>, transpose_lhs_hint = false} : vector<128x128xf32>, vector<128x64xf32>, vector<128x64xf32> -> vector<128x64xf32>
    %add3A_131 = vector.broadcast %get3A_7 : vector<1x64xf32> to vector<128x64xf32>
    %add3A_132 = arith.addf %dot_general3A_130, %add3A_131 : vector<128x64xf32>
    %max3A_133 = arith.constant 0.000000e+00 : f32
    %max3A_134 = vector.broadcast %max3A_133 : f32 to vector<128x64xf32>
    %max3A_135 = arith.maximumf %add3A_132, %max3A_134 : vector<128x64xf32>
    %dot_general3A_136 = arith.constant dense<0.000000e+00> : vector<128x64xf32>
    %dot_general3A_137 = tpu.matmul %max3A_135, %get3A_4, %dot_general3A_136 {dimension_numbers = #tpu.dot_dimension_numbers<[1], [0], [0], [1], [0, 0, 1, 1], [], []>, transpose_lhs_hint = false} : vector<128x64xf32>, vector<64x64xf32>, vector<128x64xf32> -> vector<128x64xf32>
    %add3A_138 = vector.broadcast %get3A_10 : vector<1x64xf32> to vector<128x64xf32>
    %add3A_139 = arith.addf %dot_general3A_137, %add3A_138 : vector<128x64xf32>
    %max3A_140 = arith.constant 0.000000e+00 : f32
    %max3A_141 = vector.broadcast %max3A_140 : f32 to vector<128x64xf32>
    %max3A_142 = arith.maximumf %add3A_139, %max3A_141 : vector<128x64xf32>
    %get3A_143 = arith.constant 0 : index
    %get3A_144 = arith.constant 4 : index
    %get3A_145 = vector.load %arg2[%get3A_143, %get3A_144] : memref<128x128xf32, #tpu.memory_space<vmem>>, vector<128x1xf32>
    %le3A_146 = arith.constant 1.440000e+00 : f32
    %le3A_147 = vector.broadcast %le3A_146 : f32 to vector<128x1xf32>
    %le3A_148 = arith.cmpf ole, %get3A_145, %le3A_147 : vector<128x1xf32>
    %convert_element_type3A_149 = arith.extui %le3A_148 : vector<128x1xi1> to vector<128x1xi32>
    %convert_element_type3A_150 = arith.sitofp %convert_element_type3A_149 : vector<128x1xi32> to vector<128x1xf32>
    %mul3A_151 = vector.broadcast %convert_element_type3A_150 : vector<128x1xf32> to vector<128x64xf32>
    %mul3A_152 = arith.mulf %max3A_142, %mul3A_151 : vector<128x64xf32>
    %max3A_153 = arith.maximumf %max3A_123, %mul3A_152 : vector<128x64xf32>
    %get3A_154 = arith.constant 5 : index
    %get3A_155 = arith.constant 0 : index
    %get3A_156 = arith.constant 0 : index
    %get3A_157 = vector.load %arg1[%get3A_154, %get3A_155, %get3A_156] : memref<16x128x128xf32, #tpu.memory_space<vmem>>, vector<1x128x128xf32>
    %get3A_158 = vector.shape_cast %get3A_157 : vector<1x128x128xf32> to vector<128x128xf32>
    %dot_general3A_159 = arith.constant dense<0.000000e+00> : vector<128x64xf32>
    %dot_general3A_160 = tpu.matmul %get3A_158, %get3A_1, %dot_general3A_159 {dimension_numbers = #tpu.dot_dimension_numbers<[1], [0], [0], [1], [0, 0, 1, 1], [], []>, transpose_lhs_hint = false} : vector<128x128xf32>, vector<128x64xf32>, vector<128x64xf32> -> vector<128x64xf32>
    %add3A_161 = vector.broadcast %get3A_7 : vector<1x64xf32> to vector<128x64xf32>
    %add3A_162 = arith.addf %dot_general3A_160, %add3A_161 : vector<128x64xf32>
    %max3A_163 = arith.constant 0.000000e+00 : f32
    %max3A_164 = vector.broadcast %max3A_163 : f32 to vector<128x64xf32>
    %max3A_165 = arith.maximumf %add3A_162, %max3A_164 : vector<128x64xf32>
    %dot_general3A_166 = arith.constant dense<0.000000e+00> : vector<128x64xf32>
    %dot_general3A_167 = tpu.matmul %max3A_165, %get3A_4, %dot_general3A_166 {dimension_numbers = #tpu.dot_dimension_numbers<[1], [0], [0], [1], [0, 0, 1, 1], [], []>, transpose_lhs_hint = false} : vector<128x64xf32>, vector<64x64xf32>, vector<128x64xf32> -> vector<128x64xf32>
    %add3A_168 = vector.broadcast %get3A_10 : vector<1x64xf32> to vector<128x64xf32>
    %add3A_169 = arith.addf %dot_general3A_167, %add3A_168 : vector<128x64xf32>
    %max3A_170 = arith.constant 0.000000e+00 : f32
    %max3A_171 = vector.broadcast %max3A_170 : f32 to vector<128x64xf32>
    %max3A_172 = arith.maximumf %add3A_169, %max3A_171 : vector<128x64xf32>
    %get3A_173 = arith.constant 0 : index
    %get3A_174 = arith.constant 5 : index
    %get3A_175 = vector.load %arg2[%get3A_173, %get3A_174] : memref<128x128xf32, #tpu.memory_space<vmem>>, vector<128x1xf32>
    %le3A_176 = arith.constant 1.440000e+00 : f32
    %le3A_177 = vector.broadcast %le3A_176 : f32 to vector<128x1xf32>
    %le3A_178 = arith.cmpf ole, %get3A_175, %le3A_177 : vector<128x1xf32>
    %convert_element_type3A_179 = arith.extui %le3A_178 : vector<128x1xi1> to vector<128x1xi32>
    %convert_element_type3A_180 = arith.sitofp %convert_element_type3A_179 : vector<128x1xi32> to vector<128x1xf32>
    %mul3A_181 = vector.broadcast %convert_element_type3A_180 : vector<128x1xf32> to vector<128x64xf32>
    %mul3A_182 = arith.mulf %max3A_172, %mul3A_181 : vector<128x64xf32>
    %max3A_183 = arith.maximumf %max3A_153, %mul3A_182 : vector<128x64xf32>
    %get3A_184 = arith.constant 6 : index
    %get3A_185 = arith.constant 0 : index
    %get3A_186 = arith.constant 0 : index
    %get3A_187 = vector.load %arg1[%get3A_184, %get3A_185, %get3A_186] : memref<16x128x128xf32, #tpu.memory_space<vmem>>, vector<1x128x128xf32>
    %get3A_188 = vector.shape_cast %get3A_187 : vector<1x128x128xf32> to vector<128x128xf32>
    %dot_general3A_189 = arith.constant dense<0.000000e+00> : vector<128x64xf32>
    %dot_general3A_190 = tpu.matmul %get3A_188, %get3A_1, %dot_general3A_189 {dimension_numbers = #tpu.dot_dimension_numbers<[1], [0], [0], [1], [0, 0, 1, 1], [], []>, transpose_lhs_hint = false} : vector<128x128xf32>, vector<128x64xf32>, vector<128x64xf32> -> vector<128x64xf32>
    %add3A_191 = vector.broadcast %get3A_7 : vector<1x64xf32> to vector<128x64xf32>
    %add3A_192 = arith.addf %dot_general3A_190, %add3A_191 : vector<128x64xf32>
    %max3A_193 = arith.constant 0.000000e+00 : f32
    %max3A_194 = vector.broadcast %max3A_193 : f32 to vector<128x64xf32>
    %max3A_195 = arith.maximumf %add3A_192, %max3A_194 : vector<128x64xf32>
    %dot_general3A_196 = arith.constant dense<0.000000e+00> : vector<128x64xf32>
    %dot_general3A_197 = tpu.matmul %max3A_195, %get3A_4, %dot_general3A_196 {dimension_numbers = #tpu.dot_dimension_numbers<[1], [0], [0], [1], [0, 0, 1, 1], [], []>, transpose_lhs_hint = false} : vector<128x64xf32>, vector<64x64xf32>, vector<128x64xf32> -> vector<128x64xf32>
    %add3A_198 = vector.broadcast %get3A_10 : vector<1x64xf32> to vector<128x64xf32>
    %add3A_199 = arith.addf %dot_general3A_197, %add3A_198 : vector<128x64xf32>
    %max3A_200 = arith.constant 0.000000e+00 : f32
    %max3A_201 = vector.broadcast %max3A_200 : f32 to vector<128x64xf32>
    %max3A_202 = arith.maximumf %add3A_199, %max3A_201 : vector<128x64xf32>
    %get3A_203 = arith.constant 0 : index
    %get3A_204 = arith.constant 6 : index
    %get3A_205 = vector.load %arg2[%get3A_203, %get3A_204] : memref<128x128xf32, #tpu.memory_space<vmem>>, vector<128x1xf32>
    %le3A_206 = arith.constant 1.440000e+00 : f32
    %le3A_207 = vector.broadcast %le3A_206 : f32 to vector<128x1xf32>
    %le3A_208 = arith.cmpf ole, %get3A_205, %le3A_207 : vector<128x1xf32>
    %convert_element_type3A_209 = arith.extui %le3A_208 : vector<128x1xi1> to vector<128x1xi32>
    %convert_element_type3A_210 = arith.sitofp %convert_element_type3A_209 : vector<128x1xi32> to vector<128x1xf32>
    %mul3A_211 = vector.broadcast %convert_element_type3A_210 : vector<128x1xf32> to vector<128x64xf32>
    %mul3A_212 = arith.mulf %max3A_202, %mul3A_211 : vector<128x64xf32>
    %max3A_213 = arith.maximumf %max3A_183, %mul3A_212 : vector<128x64xf32>
    %get3A_214 = arith.constant 7 : index
    %get3A_215 = arith.constant 0 : index
    %get3A_216 = arith.constant 0 : index
    %get3A_217 = vector.load %arg1[%get3A_214, %get3A_215, %get3A_216] : memref<16x128x128xf32, #tpu.memory_space<vmem>>, vector<1x128x128xf32>
    %get3A_218 = vector.shape_cast %get3A_217 : vector<1x128x128xf32> to vector<128x128xf32>
    %dot_general3A_219 = arith.constant dense<0.000000e+00> : vector<128x64xf32>
    %dot_general3A_220 = tpu.matmul %get3A_218, %get3A_1, %dot_general3A_219 {dimension_numbers = #tpu.dot_dimension_numbers<[1], [0], [0], [1], [0, 0, 1, 1], [], []>, transpose_lhs_hint = false} : vector<128x128xf32>, vector<128x64xf32>, vector<128x64xf32> -> vector<128x64xf32>
    %add3A_221 = vector.broadcast %get3A_7 : vector<1x64xf32> to vector<128x64xf32>
    %add3A_222 = arith.addf %dot_general3A_220, %add3A_221 : vector<128x64xf32>
    %max3A_223 = arith.constant 0.000000e+00 : f32
    %max3A_224 = vector.broadcast %max3A_223 : f32 to vector<128x64xf32>
    %max3A_225 = arith.maximumf %add3A_222, %max3A_224 : vector<128x64xf32>
    %dot_general3A_226 = arith.constant dense<0.000000e+00> : vector<128x64xf32>
    %dot_general3A_227 = tpu.matmul %max3A_225, %get3A_4, %dot_general3A_226 {dimension_numbers = #tpu.dot_dimension_numbers<[1], [0], [0], [1], [0, 0, 1, 1], [], []>, transpose_lhs_hint = false} : vector<128x64xf32>, vector<64x64xf32>, vector<128x64xf32> -> vector<128x64xf32>
    %add3A_228 = vector.broadcast %get3A_10 : vector<1x64xf32> to vector<128x64xf32>
    %add3A_229 = arith.addf %dot_general3A_227, %add3A_228 : vector<128x64xf32>
    %max3A_230 = arith.constant 0.000000e+00 : f32
    %max3A_231 = vector.broadcast %max3A_230 : f32 to vector<128x64xf32>
    %max3A_232 = arith.maximumf %add3A_229, %max3A_231 : vector<128x64xf32>
    %get3A_233 = arith.constant 0 : index
    %get3A_234 = arith.constant 7 : index
    %get3A_235 = vector.load %arg2[%get3A_233, %get3A_234] : memref<128x128xf32, #tpu.memory_space<vmem>>, vector<128x1xf32>
    %le3A_236 = arith.constant 1.440000e+00 : f32
    %le3A_237 = vector.broadcast %le3A_236 : f32 to vector<128x1xf32>
    %le3A_238 = arith.cmpf ole, %get3A_235, %le3A_237 : vector<128x1xf32>
    %convert_element_type3A_239 = arith.extui %le3A_238 : vector<128x1xi1> to vector<128x1xi32>
    %convert_element_type3A_240 = arith.sitofp %convert_element_type3A_239 : vector<128x1xi32> to vector<128x1xf32>
    %mul3A_241 = vector.broadcast %convert_element_type3A_240 : vector<128x1xf32> to vector<128x64xf32>
    %mul3A_242 = arith.mulf %max3A_232, %mul3A_241 : vector<128x64xf32>
    %max3A_243 = arith.maximumf %max3A_213, %mul3A_242 : vector<128x64xf32>
    %get3A_244 = arith.constant 8 : index
    %get3A_245 = arith.constant 0 : index
    %get3A_246 = arith.constant 0 : index
    %get3A_247 = vector.load %arg1[%get3A_244, %get3A_245, %get3A_246] : memref<16x128x128xf32, #tpu.memory_space<vmem>>, vector<1x128x128xf32>
    %get3A_248 = vector.shape_cast %get3A_247 : vector<1x128x128xf32> to vector<128x128xf32>
    %dot_general3A_249 = arith.constant dense<0.000000e+00> : vector<128x64xf32>
    %dot_general3A_250 = tpu.matmul %get3A_248, %get3A_1, %dot_general3A_249 {dimension_numbers = #tpu.dot_dimension_numbers<[1], [0], [0], [1], [0, 0, 1, 1], [], []>, transpose_lhs_hint = false} : vector<128x128xf32>, vector<128x64xf32>, vector<128x64xf32> -> vector<128x64xf32>
    %add3A_251 = vector.broadcast %get3A_7 : vector<1x64xf32> to vector<128x64xf32>
    %add3A_252 = arith.addf %dot_general3A_250, %add3A_251 : vector<128x64xf32>
    %max3A_253 = arith.constant 0.000000e+00 : f32
    %max3A_254 = vector.broadcast %max3A_253 : f32 to vector<128x64xf32>
    %max3A_255 = arith.maximumf %add3A_252, %max3A_254 : vector<128x64xf32>
    %dot_general3A_256 = arith.constant dense<0.000000e+00> : vector<128x64xf32>
    %dot_general3A_257 = tpu.matmul %max3A_255, %get3A_4, %dot_general3A_256 {dimension_numbers = #tpu.dot_dimension_numbers<[1], [0], [0], [1], [0, 0, 1, 1], [], []>, transpose_lhs_hint = false} : vector<128x64xf32>, vector<64x64xf32>, vector<128x64xf32> -> vector<128x64xf32>
    %add3A_258 = vector.broadcast %get3A_10 : vector<1x64xf32> to vector<128x64xf32>
    %add3A_259 = arith.addf %dot_general3A_257, %add3A_258 : vector<128x64xf32>
    %max3A_260 = arith.constant 0.000000e+00 : f32
    %max3A_261 = vector.broadcast %max3A_260 : f32 to vector<128x64xf32>
    %max3A_262 = arith.maximumf %add3A_259, %max3A_261 : vector<128x64xf32>
    %get3A_263 = arith.constant 0 : index
    %get3A_264 = arith.constant 8 : index
    %get3A_265 = vector.load %arg2[%get3A_263, %get3A_264] : memref<128x128xf32, #tpu.memory_space<vmem>>, vector<128x1xf32>
    %le3A_266 = arith.constant 1.440000e+00 : f32
    %le3A_267 = vector.broadcast %le3A_266 : f32 to vector<128x1xf32>
    %le3A_268 = arith.cmpf ole, %get3A_265, %le3A_267 : vector<128x1xf32>
    %convert_element_type3A_269 = arith.extui %le3A_268 : vector<128x1xi1> to vector<128x1xi32>
    %convert_element_type3A_270 = arith.sitofp %convert_element_type3A_269 : vector<128x1xi32> to vector<128x1xf32>
    %mul3A_271 = vector.broadcast %convert_element_type3A_270 : vector<128x1xf32> to vector<128x64xf32>
    %mul3A_272 = arith.mulf %max3A_262, %mul3A_271 : vector<128x64xf32>
    %max3A_273 = arith.maximumf %max3A_243, %mul3A_272 : vector<128x64xf32>
    %get3A_274 = arith.constant 9 : index
    %get3A_275 = arith.constant 0 : index
    %get3A_276 = arith.constant 0 : index
    %get3A_277 = vector.load %arg1[%get3A_274, %get3A_275, %get3A_276] : memref<16x128x128xf32, #tpu.memory_space<vmem>>, vector<1x128x128xf32>
    %get3A_278 = vector.shape_cast %get3A_277 : vector<1x128x128xf32> to vector<128x128xf32>
    %dot_general3A_279 = arith.constant dense<0.000000e+00> : vector<128x64xf32>
    %dot_general3A_280 = tpu.matmul %get3A_278, %get3A_1, %dot_general3A_279 {dimension_numbers = #tpu.dot_dimension_numbers<[1], [0], [0], [1], [0, 0, 1, 1], [], []>, transpose_lhs_hint = false} : vector<128x128xf32>, vector<128x64xf32>, vector<128x64xf32> -> vector<128x64xf32>
    %add3A_281 = vector.broadcast %get3A_7 : vector<1x64xf32> to vector<128x64xf32>
    %add3A_282 = arith.addf %dot_general3A_280, %add3A_281 : vector<128x64xf32>
    %max3A_283 = arith.constant 0.000000e+00 : f32
    %max3A_284 = vector.broadcast %max3A_283 : f32 to vector<128x64xf32>
    %max3A_285 = arith.maximumf %add3A_282, %max3A_284 : vector<128x64xf32>
    %dot_general3A_286 = arith.constant dense<0.000000e+00> : vector<128x64xf32>
    %dot_general3A_287 = tpu.matmul %max3A_285, %get3A_4, %dot_general3A_286 {dimension_numbers = #tpu.dot_dimension_numbers<[1], [0], [0], [1], [0, 0, 1, 1], [], []>, transpose_lhs_hint = false} : vector<128x64xf32>, vector<64x64xf32>, vector<128x64xf32> -> vector<128x64xf32>
    %add3A_288 = vector.broadcast %get3A_10 : vector<1x64xf32> to vector<128x64xf32>
    %add3A_289 = arith.addf %dot_general3A_287, %add3A_288 : vector<128x64xf32>
    %max3A_290 = arith.constant 0.000000e+00 : f32
    %max3A_291 = vector.broadcast %max3A_290 : f32 to vector<128x64xf32>
    %max3A_292 = arith.maximumf %add3A_289, %max3A_291 : vector<128x64xf32>
    %get3A_293 = arith.constant 0 : index
    %get3A_294 = arith.constant 9 : index
    %get3A_295 = vector.load %arg2[%get3A_293, %get3A_294] : memref<128x128xf32, #tpu.memory_space<vmem>>, vector<128x1xf32>
    %le3A_296 = arith.constant 1.440000e+00 : f32
    %le3A_297 = vector.broadcast %le3A_296 : f32 to vector<128x1xf32>
    %le3A_298 = arith.cmpf ole, %get3A_295, %le3A_297 : vector<128x1xf32>
    %convert_element_type3A_299 = arith.extui %le3A_298 : vector<128x1xi1> to vector<128x1xi32>
    %convert_element_type3A_300 = arith.sitofp %convert_element_type3A_299 : vector<128x1xi32> to vector<128x1xf32>
    %mul3A_301 = vector.broadcast %convert_element_type3A_300 : vector<128x1xf32> to vector<128x64xf32>
    %mul3A_302 = arith.mulf %max3A_292, %mul3A_301 : vector<128x64xf32>
    %max3A_303 = arith.maximumf %max3A_273, %mul3A_302 : vector<128x64xf32>
    %get3A_304 = arith.constant 10 : index
    %get3A_305 = arith.constant 0 : index
    %get3A_306 = arith.constant 0 : index
    %get3A_307 = vector.load %arg1[%get3A_304, %get3A_305, %get3A_306] : memref<16x128x128xf32, #tpu.memory_space<vmem>>, vector<1x128x128xf32>
    %get3A_308 = vector.shape_cast %get3A_307 : vector<1x128x128xf32> to vector<128x128xf32>
    %dot_general3A_309 = arith.constant dense<0.000000e+00> : vector<128x64xf32>
    %dot_general3A_310 = tpu.matmul %get3A_308, %get3A_1, %dot_general3A_309 {dimension_numbers = #tpu.dot_dimension_numbers<[1], [0], [0], [1], [0, 0, 1, 1], [], []>, transpose_lhs_hint = false} : vector<128x128xf32>, vector<128x64xf32>, vector<128x64xf32> -> vector<128x64xf32>
    %add3A_311 = vector.broadcast %get3A_7 : vector<1x64xf32> to vector<128x64xf32>
    %add3A_312 = arith.addf %dot_general3A_310, %add3A_311 : vector<128x64xf32>
    %max3A_313 = arith.constant 0.000000e+00 : f32
    %max3A_314 = vector.broadcast %max3A_313 : f32 to vector<128x64xf32>
    %max3A_315 = arith.maximumf %add3A_312, %max3A_314 : vector<128x64xf32>
    %dot_general3A_316 = arith.constant dense<0.000000e+00> : vector<128x64xf32>
    %dot_general3A_317 = tpu.matmul %max3A_315, %get3A_4, %dot_general3A_316 {dimension_numbers = #tpu.dot_dimension_numbers<[1], [0], [0], [1], [0, 0, 1, 1], [], []>, transpose_lhs_hint = false} : vector<128x64xf32>, vector<64x64xf32>, vector<128x64xf32> -> vector<128x64xf32>
    %add3A_318 = vector.broadcast %get3A_10 : vector<1x64xf32> to vector<128x64xf32>
    %add3A_319 = arith.addf %dot_general3A_317, %add3A_318 : vector<128x64xf32>
    %max3A_320 = arith.constant 0.000000e+00 : f32
    %max3A_321 = vector.broadcast %max3A_320 : f32 to vector<128x64xf32>
    %max3A_322 = arith.maximumf %add3A_319, %max3A_321 : vector<128x64xf32>
    %get3A_323 = arith.constant 0 : index
    %get3A_324 = arith.constant 10 : index
    %get3A_325 = vector.load %arg2[%get3A_323, %get3A_324] : memref<128x128xf32, #tpu.memory_space<vmem>>, vector<128x1xf32>
    %le3A_326 = arith.constant 1.440000e+00 : f32
    %le3A_327 = vector.broadcast %le3A_326 : f32 to vector<128x1xf32>
    %le3A_328 = arith.cmpf ole, %get3A_325, %le3A_327 : vector<128x1xf32>
    %convert_element_type3A_329 = arith.extui %le3A_328 : vector<128x1xi1> to vector<128x1xi32>
    %convert_element_type3A_330 = arith.sitofp %convert_element_type3A_329 : vector<128x1xi32> to vector<128x1xf32>
    %mul3A_331 = vector.broadcast %convert_element_type3A_330 : vector<128x1xf32> to vector<128x64xf32>
    %mul3A_332 = arith.mulf %max3A_322, %mul3A_331 : vector<128x64xf32>
    %max3A_333 = arith.maximumf %max3A_303, %mul3A_332 : vector<128x64xf32>
    %get3A_334 = arith.constant 11 : index
    %get3A_335 = arith.constant 0 : index
    %get3A_336 = arith.constant 0 : index
    %get3A_337 = vector.load %arg1[%get3A_334, %get3A_335, %get3A_336] : memref<16x128x128xf32, #tpu.memory_space<vmem>>, vector<1x128x128xf32>
    %get3A_338 = vector.shape_cast %get3A_337 : vector<1x128x128xf32> to vector<128x128xf32>
    %dot_general3A_339 = arith.constant dense<0.000000e+00> : vector<128x64xf32>
    %dot_general3A_340 = tpu.matmul %get3A_338, %get3A_1, %dot_general3A_339 {dimension_numbers = #tpu.dot_dimension_numbers<[1], [0], [0], [1], [0, 0, 1, 1], [], []>, transpose_lhs_hint = false} : vector<128x128xf32>, vector<128x64xf32>, vector<128x64xf32> -> vector<128x64xf32>
    %add3A_341 = vector.broadcast %get3A_7 : vector<1x64xf32> to vector<128x64xf32>
    %add3A_342 = arith.addf %dot_general3A_340, %add3A_341 : vector<128x64xf32>
    %max3A_343 = arith.constant 0.000000e+00 : f32
    %max3A_344 = vector.broadcast %max3A_343 : f32 to vector<128x64xf32>
    %max3A_345 = arith.maximumf %add3A_342, %max3A_344 : vector<128x64xf32>
    %dot_general3A_346 = arith.constant dense<0.000000e+00> : vector<128x64xf32>
    %dot_general3A_347 = tpu.matmul %max3A_345, %get3A_4, %dot_general3A_346 {dimension_numbers = #tpu.dot_dimension_numbers<[1], [0], [0], [1], [0, 0, 1, 1], [], []>, transpose_lhs_hint = false} : vector<128x64xf32>, vector<64x64xf32>, vector<128x64xf32> -> vector<128x64xf32>
    %add3A_348 = vector.broadcast %get3A_10 : vector<1x64xf32> to vector<128x64xf32>
    %add3A_349 = arith.addf %dot_general3A_347, %add3A_348 : vector<128x64xf32>
    %max3A_350 = arith.constant 0.000000e+00 : f32
    %max3A_351 = vector.broadcast %max3A_350 : f32 to vector<128x64xf32>
    %max3A_352 = arith.maximumf %add3A_349, %max3A_351 : vector<128x64xf32>
    %get3A_353 = arith.constant 0 : index
    %get3A_354 = arith.constant 11 : index
    %get3A_355 = vector.load %arg2[%get3A_353, %get3A_354] : memref<128x128xf32, #tpu.memory_space<vmem>>, vector<128x1xf32>
    %le3A_356 = arith.constant 1.440000e+00 : f32
    %le3A_357 = vector.broadcast %le3A_356 : f32 to vector<128x1xf32>
    %le3A_358 = arith.cmpf ole, %get3A_355, %le3A_357 : vector<128x1xf32>
    %convert_element_type3A_359 = arith.extui %le3A_358 : vector<128x1xi1> to vector<128x1xi32>
    %convert_element_type3A_360 = arith.sitofp %convert_element_type3A_359 : vector<128x1xi32> to vector<128x1xf32>
    %mul3A_361 = vector.broadcast %convert_element_type3A_360 : vector<128x1xf32> to vector<128x64xf32>
    %mul3A_362 = arith.mulf %max3A_352, %mul3A_361 : vector<128x64xf32>
    %max3A_363 = arith.maximumf %max3A_333, %mul3A_362 : vector<128x64xf32>
    %get3A_364 = arith.constant 12 : index
    %get3A_365 = arith.constant 0 : index
    %get3A_366 = arith.constant 0 : index
    %get3A_367 = vector.load %arg1[%get3A_364, %get3A_365, %get3A_366] : memref<16x128x128xf32, #tpu.memory_space<vmem>>, vector<1x128x128xf32>
    %get3A_368 = vector.shape_cast %get3A_367 : vector<1x128x128xf32> to vector<128x128xf32>
    %dot_general3A_369 = arith.constant dense<0.000000e+00> : vector<128x64xf32>
    %dot_general3A_370 = tpu.matmul %get3A_368, %get3A_1, %dot_general3A_369 {dimension_numbers = #tpu.dot_dimension_numbers<[1], [0], [0], [1], [0, 0, 1, 1], [], []>, transpose_lhs_hint = false} : vector<128x128xf32>, vector<128x64xf32>, vector<128x64xf32> -> vector<128x64xf32>
    %add3A_371 = vector.broadcast %get3A_7 : vector<1x64xf32> to vector<128x64xf32>
    %add3A_372 = arith.addf %dot_general3A_370, %add3A_371 : vector<128x64xf32>
    %max3A_373 = arith.constant 0.000000e+00 : f32
    %max3A_374 = vector.broadcast %max3A_373 : f32 to vector<128x64xf32>
    %max3A_375 = arith.maximumf %add3A_372, %max3A_374 : vector<128x64xf32>
    %dot_general3A_376 = arith.constant dense<0.000000e+00> : vector<128x64xf32>
    %dot_general3A_377 = tpu.matmul %max3A_375, %get3A_4, %dot_general3A_376 {dimension_numbers = #tpu.dot_dimension_numbers<[1], [0], [0], [1], [0, 0, 1, 1], [], []>, transpose_lhs_hint = false} : vector<128x64xf32>, vector<64x64xf32>, vector<128x64xf32> -> vector<128x64xf32>
    %add3A_378 = vector.broadcast %get3A_10 : vector<1x64xf32> to vector<128x64xf32>
    %add3A_379 = arith.addf %dot_general3A_377, %add3A_378 : vector<128x64xf32>
    %max3A_380 = arith.constant 0.000000e+00 : f32
    %max3A_381 = vector.broadcast %max3A_380 : f32 to vector<128x64xf32>
    %max3A_382 = arith.maximumf %add3A_379, %max3A_381 : vector<128x64xf32>
    %get3A_383 = arith.constant 0 : index
    %get3A_384 = arith.constant 12 : index
    %get3A_385 = vector.load %arg2[%get3A_383, %get3A_384] : memref<128x128xf32, #tpu.memory_space<vmem>>, vector<128x1xf32>
    %le3A_386 = arith.constant 1.440000e+00 : f32
    %le3A_387 = vector.broadcast %le3A_386 : f32 to vector<128x1xf32>
    %le3A_388 = arith.cmpf ole, %get3A_385, %le3A_387 : vector<128x1xf32>
    %convert_element_type3A_389 = arith.extui %le3A_388 : vector<128x1xi1> to vector<128x1xi32>
    %convert_element_type3A_390 = arith.sitofp %convert_element_type3A_389 : vector<128x1xi32> to vector<128x1xf32>
    %mul3A_391 = vector.broadcast %convert_element_type3A_390 : vector<128x1xf32> to vector<128x64xf32>
    %mul3A_392 = arith.mulf %max3A_382, %mul3A_391 : vector<128x64xf32>
    %max3A_393 = arith.maximumf %max3A_363, %mul3A_392 : vector<128x64xf32>
    %get3A_394 = arith.constant 13 : index
    %get3A_395 = arith.constant 0 : index
    %get3A_396 = arith.constant 0 : index
    %get3A_397 = vector.load %arg1[%get3A_394, %get3A_395, %get3A_396] : memref<16x128x128xf32, #tpu.memory_space<vmem>>, vector<1x128x128xf32>
    %get3A_398 = vector.shape_cast %get3A_397 : vector<1x128x128xf32> to vector<128x128xf32>
    %dot_general3A_399 = arith.constant dense<0.000000e+00> : vector<128x64xf32>
    %dot_general3A_400 = tpu.matmul %get3A_398, %get3A_1, %dot_general3A_399 {dimension_numbers = #tpu.dot_dimension_numbers<[1], [0], [0], [1], [0, 0, 1, 1], [], []>, transpose_lhs_hint = false} : vector<128x128xf32>, vector<128x64xf32>, vector<128x64xf32> -> vector<128x64xf32>
    %add3A_401 = vector.broadcast %get3A_7 : vector<1x64xf32> to vector<128x64xf32>
    %add3A_402 = arith.addf %dot_general3A_400, %add3A_401 : vector<128x64xf32>
    %max3A_403 = arith.constant 0.000000e+00 : f32
    %max3A_404 = vector.broadcast %max3A_403 : f32 to vector<128x64xf32>
    %max3A_405 = arith.maximumf %add3A_402, %max3A_404 : vector<128x64xf32>
    %dot_general3A_406 = arith.constant dense<0.000000e+00> : vector<128x64xf32>
    %dot_general3A_407 = tpu.matmul %max3A_405, %get3A_4, %dot_general3A_406 {dimension_numbers = #tpu.dot_dimension_numbers<[1], [0], [0], [1], [0, 0, 1, 1], [], []>, transpose_lhs_hint = false} : vector<128x64xf32>, vector<64x64xf32>, vector<128x64xf32> -> vector<128x64xf32>
    %add3A_408 = vector.broadcast %get3A_10 : vector<1x64xf32> to vector<128x64xf32>
    %add3A_409 = arith.addf %dot_general3A_407, %add3A_408 : vector<128x64xf32>
    %max3A_410 = arith.constant 0.000000e+00 : f32
    %max3A_411 = vector.broadcast %max3A_410 : f32 to vector<128x64xf32>
    %max3A_412 = arith.maximumf %add3A_409, %max3A_411 : vector<128x64xf32>
    %get3A_413 = arith.constant 0 : index
    %get3A_414 = arith.constant 13 : index
    %get3A_415 = vector.load %arg2[%get3A_413, %get3A_414] : memref<128x128xf32, #tpu.memory_space<vmem>>, vector<128x1xf32>
    %le3A_416 = arith.constant 1.440000e+00 : f32
    %le3A_417 = vector.broadcast %le3A_416 : f32 to vector<128x1xf32>
    %le3A_418 = arith.cmpf ole, %get3A_415, %le3A_417 : vector<128x1xf32>
    %convert_element_type3A_419 = arith.extui %le3A_418 : vector<128x1xi1> to vector<128x1xi32>
    %convert_element_type3A_420 = arith.sitofp %convert_element_type3A_419 : vector<128x1xi32> to vector<128x1xf32>
    %mul3A_421 = vector.broadcast %convert_element_type3A_420 : vector<128x1xf32> to vector<128x64xf32>
    %mul3A_422 = arith.mulf %max3A_412, %mul3A_421 : vector<128x64xf32>
    %max3A_423 = arith.maximumf %max3A_393, %mul3A_422 : vector<128x64xf32>
    %get3A_424 = arith.constant 14 : index
    %get3A_425 = arith.constant 0 : index
    %get3A_426 = arith.constant 0 : index
    %get3A_427 = vector.load %arg1[%get3A_424, %get3A_425, %get3A_426] : memref<16x128x128xf32, #tpu.memory_space<vmem>>, vector<1x128x128xf32>
    %get3A_428 = vector.shape_cast %get3A_427 : vector<1x128x128xf32> to vector<128x128xf32>
    %dot_general3A_429 = arith.constant dense<0.000000e+00> : vector<128x64xf32>
    %dot_general3A_430 = tpu.matmul %get3A_428, %get3A_1, %dot_general3A_429 {dimension_numbers = #tpu.dot_dimension_numbers<[1], [0], [0], [1], [0, 0, 1, 1], [], []>, transpose_lhs_hint = false} : vector<128x128xf32>, vector<128x64xf32>, vector<128x64xf32> -> vector<128x64xf32>
    %add3A_431 = vector.broadcast %get3A_7 : vector<1x64xf32> to vector<128x64xf32>
    %add3A_432 = arith.addf %dot_general3A_430, %add3A_431 : vector<128x64xf32>
    %max3A_433 = arith.constant 0.000000e+00 : f32
    %max3A_434 = vector.broadcast %max3A_433 : f32 to vector<128x64xf32>
    %max3A_435 = arith.maximumf %add3A_432, %max3A_434 : vector<128x64xf32>
    %dot_general3A_436 = arith.constant dense<0.000000e+00> : vector<128x64xf32>
    %dot_general3A_437 = tpu.matmul %max3A_435, %get3A_4, %dot_general3A_436 {dimension_numbers = #tpu.dot_dimension_numbers<[1], [0], [0], [1], [0, 0, 1, 1], [], []>, transpose_lhs_hint = false} : vector<128x64xf32>, vector<64x64xf32>, vector<128x64xf32> -> vector<128x64xf32>
    %add3A_438 = vector.broadcast %get3A_10 : vector<1x64xf32> to vector<128x64xf32>
    %add3A_439 = arith.addf %dot_general3A_437, %add3A_438 : vector<128x64xf32>
    %max3A_440 = arith.constant 0.000000e+00 : f32
    %max3A_441 = vector.broadcast %max3A_440 : f32 to vector<128x64xf32>
    %max3A_442 = arith.maximumf %add3A_439, %max3A_441 : vector<128x64xf32>
    %get3A_443 = arith.constant 0 : index
    %get3A_444 = arith.constant 14 : index
    %get3A_445 = vector.load %arg2[%get3A_443, %get3A_444] : memref<128x128xf32, #tpu.memory_space<vmem>>, vector<128x1xf32>
    %le3A_446 = arith.constant 1.440000e+00 : f32
    %le3A_447 = vector.broadcast %le3A_446 : f32 to vector<128x1xf32>
    %le3A_448 = arith.cmpf ole, %get3A_445, %le3A_447 : vector<128x1xf32>
    %convert_element_type3A_449 = arith.extui %le3A_448 : vector<128x1xi1> to vector<128x1xi32>
    %convert_element_type3A_450 = arith.sitofp %convert_element_type3A_449 : vector<128x1xi32> to vector<128x1xf32>
    %mul3A_451 = vector.broadcast %convert_element_type3A_450 : vector<128x1xf32> to vector<128x64xf32>
    %mul3A_452 = arith.mulf %max3A_442, %mul3A_451 : vector<128x64xf32>
    %max3A_453 = arith.maximumf %max3A_423, %mul3A_452 : vector<128x64xf32>
    %get3A_454 = arith.constant 15 : index
    %get3A_455 = arith.constant 0 : index
    %get3A_456 = arith.constant 0 : index
    %get3A_457 = vector.load %arg1[%get3A_454, %get3A_455, %get3A_456] : memref<16x128x128xf32, #tpu.memory_space<vmem>>, vector<1x128x128xf32>
    %get3A_458 = vector.shape_cast %get3A_457 : vector<1x128x128xf32> to vector<128x128xf32>
    %dot_general3A_459 = arith.constant dense<0.000000e+00> : vector<128x64xf32>
    %dot_general3A_460 = tpu.matmul %get3A_458, %get3A_1, %dot_general3A_459 {dimension_numbers = #tpu.dot_dimension_numbers<[1], [0], [0], [1], [0, 0, 1, 1], [], []>, transpose_lhs_hint = false} : vector<128x128xf32>, vector<128x64xf32>, vector<128x64xf32> -> vector<128x64xf32>
    %add3A_461 = vector.broadcast %get3A_7 : vector<1x64xf32> to vector<128x64xf32>
    %add3A_462 = arith.addf %dot_general3A_460, %add3A_461 : vector<128x64xf32>
    %max3A_463 = arith.constant 0.000000e+00 : f32
    %max3A_464 = vector.broadcast %max3A_463 : f32 to vector<128x64xf32>
    %max3A_465 = arith.maximumf %add3A_462, %max3A_464 : vector<128x64xf32>
    %dot_general3A_466 = arith.constant dense<0.000000e+00> : vector<128x64xf32>
    %dot_general3A_467 = tpu.matmul %max3A_465, %get3A_4, %dot_general3A_466 {dimension_numbers = #tpu.dot_dimension_numbers<[1], [0], [0], [1], [0, 0, 1, 1], [], []>, transpose_lhs_hint = false} : vector<128x64xf32>, vector<64x64xf32>, vector<128x64xf32> -> vector<128x64xf32>
    %add3A_468 = vector.broadcast %get3A_10 : vector<1x64xf32> to vector<128x64xf32>
    %add3A_469 = arith.addf %dot_general3A_467, %add3A_468 : vector<128x64xf32>
    %max3A_470 = arith.constant 0.000000e+00 : f32
    %max3A_471 = vector.broadcast %max3A_470 : f32 to vector<128x64xf32>
    %max3A_472 = arith.maximumf %add3A_469, %max3A_471 : vector<128x64xf32>
    %get3A_473 = arith.constant 0 : index
    %get3A_474 = arith.constant 15 : index
    %get3A_475 = vector.load %arg2[%get3A_473, %get3A_474] : memref<128x128xf32, #tpu.memory_space<vmem>>, vector<128x1xf32>
    %le3A_476 = arith.constant 1.440000e+00 : f32
    %le3A_477 = vector.broadcast %le3A_476 : f32 to vector<128x1xf32>
    %le3A_478 = arith.cmpf ole, %get3A_475, %le3A_477 : vector<128x1xf32>
    %convert_element_type3A_479 = arith.extui %le3A_478 : vector<128x1xi1> to vector<128x1xi32>
    %convert_element_type3A_480 = arith.sitofp %convert_element_type3A_479 : vector<128x1xi32> to vector<128x1xf32>
    %mul3A_481 = vector.broadcast %convert_element_type3A_480 : vector<128x1xf32> to vector<128x64xf32>
    %mul3A_482 = arith.mulf %max3A_472, %mul3A_481 : vector<128x64xf32>
    %max3A_483 = arith.maximumf %max3A_453, %mul3A_482 : vector<128x64xf32>
    %swap3A = arith.constant 0 : index
    %swap3A_484 = arith.constant 0 : index
    %swap3A_485 = vector.load %arg7[%swap3A, %swap3A_484] : memref<128x64xf32, #tpu.memory_space<vmem>>, vector<128x64xf32>
    tpu.vector_store %arg7[%swap3A, %swap3A_484], %max3A_483 {strides = array<i32>} : memref<128x64xf32, #tpu.memory_space<vmem>>, vector<128x64xf32>,
    return
  }
  func.func @transform_0(%arg0: i32) -> (i32, i32, i32) {
    %c0_i32 = arith.constant 0 : i32
    %c0_i32_0 = arith.constant 0 : i32
    %c0_i32_1 = arith.constant 0 : i32
    return %c0_i32, %arg0, %c0_i32_0 : i32, i32, i32
  }
  func.func @transform_1(%arg0: i32) -> (i32, i32) {
    %c0_i32 = arith.constant 0 : i32
    %c0_i32_0 = arith.constant 0 : i32
    return %arg0, %c0_i32 : i32, i32
  }
  func.func @transform_2(%arg0: i32) -> (i32, i32) {
    %c0_i32 = arith.constant 0 : i32
    %c0_i32_0 = arith.constant 0 : i32
    %c0_i32_1 = arith.constant 0 : i32
    return %c0_i32, %c0_i32_0 : i32, i32
  }
  func.func @transform_3(%arg0: i32) -> (i32, i32) {
    %c0_i32 = arith.constant 0 : i32
    %c0_i32_0 = arith.constant 0 : i32
    %c0_i32_1 = arith.constant 0 : i32
    return %c0_i32, %c0_i32_0 : i32, i32
  }
  func.func @transform_4(%arg0: i32) -> (i32, i32) {
    %c0_i32 = arith.constant 0 : i32
    %c0_i32_0 = arith.constant 0 : i32
    %c0_i32_1 = arith.constant 0 : i32
    return %c0_i32, %c0_i32_0 : i32, i32
  }
  func.func @transform_5(%arg0: i32) -> (i32, i32) {
    %c0_i32 = arith.constant 0 : i32
    %c0_i32_0 = arith.constant 0 : i32
    %c0_i32_1 = arith.constant 0 : i32
    return %c0_i32, %c0_i32_0 : i32, i32
  }
  func.func @transform_6(%arg0: i32) -> (i32, i32) {
    %c0_i32 = arith.constant 0 : i32
    %c0_i32_0 = arith.constant 0 : i32
    return %arg0, %c0_i32 : i32, i32
  }
}

module attributes {stable_mosaic.version = 14 : i64} {
  func.func @_sa_self_kernel(%arg0: memref<1024x64xf32, #tpu.memory_space<vmem>>, %arg1: memref<64x64xf32, #tpu.memory_space<vmem>>, %arg2: memref<64x64xf32, #tpu.memory_space<vmem>>, %arg3: memref<64x64xf32, #tpu.memory_space<vmem>>, %arg4: memref<64x64xf32, #tpu.memory_space<vmem>>, %arg5: memref<1024x64xf32, #tpu.memory_space<vmem>>) attributes {dimension_semantics = [], scalar_prefetch = 0 : i64, scratch_operands = 0 : i64, tpu.core_type = #tpu.core_type<tc>} {
    %get3A = arith.constant 0 : index
    %get3A_0 = arith.constant 0 : index
    %get3A_1 = vector.load %arg0[%get3A, %get3A_0] : memref<1024x64xf32, #tpu.memory_space<vmem>>, vector<1024x64xf32>
    %get3A_2 = arith.constant 0 : index
    %get3A_3 = arith.constant 0 : index
    %get3A_4 = vector.load %arg1[%get3A_2, %get3A_3] : memref<64x64xf32, #tpu.memory_space<vmem>>, vector<64x64xf32>
    %dot_general3A = arith.constant dense<0.000000e+00> : vector<1024x64xf32>
    %dot_general3A_5 = tpu.matmul %get3A_1, %get3A_4, %dot_general3A {dimension_numbers = #tpu.dot_dimension_numbers<[1], [0], [0], [1], [0, 0, 1, 1], [], []>, transpose_lhs_hint = false} : vector<1024x64xf32>, vector<64x64xf32>, vector<1024x64xf32> -> vector<1024x64xf32>
    %get3A_6 = arith.constant 0 : index
    %get3A_7 = arith.constant 0 : index
    %get3A_8 = vector.load %arg2[%get3A_6, %get3A_7] : memref<64x64xf32, #tpu.memory_space<vmem>>, vector<64x64xf32>
    %dot_general3A_9 = arith.constant dense<0.000000e+00> : vector<1024x64xf32>
    %dot_general3A_10 = tpu.matmul %get3A_1, %get3A_8, %dot_general3A_9 {dimension_numbers = #tpu.dot_dimension_numbers<[1], [0], [0], [1], [0, 0, 1, 1], [], []>, transpose_lhs_hint = false} : vector<1024x64xf32>, vector<64x64xf32>, vector<1024x64xf32> -> vector<1024x64xf32>
    %get3A_11 = arith.constant 0 : index
    %get3A_12 = arith.constant 0 : index
    %get3A_13 = vector.load %arg3[%get3A_11, %get3A_12] : memref<64x64xf32, #tpu.memory_space<vmem>>, vector<64x64xf32>
    %dot_general3A_14 = arith.constant dense<0.000000e+00> : vector<1024x64xf32>
    %dot_general3A_15 = tpu.matmul %get3A_1, %get3A_13, %dot_general3A_14 {dimension_numbers = #tpu.dot_dimension_numbers<[1], [0], [0], [1], [0, 0, 1, 1], [], []>, transpose_lhs_hint = false} : vector<1024x64xf32>, vector<64x64xf32>, vector<1024x64xf32> -> vector<1024x64xf32>
    %dot_general3A_16 = arith.constant dense<0.000000e+00> : vector<1024x1024xf32>
    %dot_general3A_17 = tpu.matmul %dot_general3A_5, %dot_general3A_10, %dot_general3A_16 {dimension_numbers = #tpu.dot_dimension_numbers<[1], [1], [0], [0], [0, 0, 1, 0], [], []>, transpose_lhs_hint = false} : vector<1024x64xf32>, vector<1024x64xf32>, vector<1024x1024xf32> -> vector<1024x1024xf32>
    %div3A = arith.constant 8.000000e+00 : f32
    %div3A_18 = vector.broadcast %div3A : f32 to vector<1024x1024xf32>
    %div3A_19 = arith.divf %dot_general3A_17, %div3A_18 : vector<1024x1024xf32>
    %reduce_max3A = arith.constant dense<0xFF800000> : vector<1024xf32>
    %reduce_max3A_20 = vector.multi_reduction <maximumf>, %div3A_19, %reduce_max3A [1] : vector<1024x1024xf32> to vector<1024xf32>
    %broadcast_in_dim3A = vector.shape_cast %reduce_max3A_20 : vector<1024xf32> to vector<1024x1xf32>
    %sub3A = vector.broadcast %broadcast_in_dim3A : vector<1024x1xf32> to vector<1024x1024xf32>
    %sub3A_21 = arith.subf %div3A_19, %sub3A : vector<1024x1024xf32>
    %exp3A = math.exp %sub3A_21 : vector<1024x1024xf32>
    %reduce_sum3A = arith.constant dense<0.000000e+00> : vector<1024xf32>
    %reduce_sum3A_22 = vector.multi_reduction <add>, %exp3A, %reduce_sum3A [1] : vector<1024x1024xf32> to vector<1024xf32>
    %broadcast_in_dim3A_23 = vector.shape_cast %reduce_sum3A_22 : vector<1024xf32> to vector<1024x1xf32>
    %div3A_24 = vector.broadcast %broadcast_in_dim3A_23 : vector<1024x1xf32> to vector<1024x1024xf32>
    %div3A_25 = arith.divf %exp3A, %div3A_24 : vector<1024x1024xf32>
    %dot_general3A_26 = arith.constant dense<0.000000e+00> : vector<1024x64xf32>
    %dot_general3A_27 = tpu.matmul %div3A_25, %dot_general3A_15, %dot_general3A_26 {dimension_numbers = #tpu.dot_dimension_numbers<[1], [0], [0], [1], [0, 0, 1, 1], [], []>, transpose_lhs_hint = false} : vector<1024x1024xf32>, vector<1024x64xf32>, vector<1024x64xf32> -> vector<1024x64xf32>
    %get3A_28 = arith.constant 0 : index
    %get3A_29 = arith.constant 0 : index
    %get3A_30 = vector.load %arg4[%get3A_28, %get3A_29] : memref<64x64xf32, #tpu.memory_space<vmem>>, vector<64x64xf32>
    %dot_general3A_31 = arith.constant dense<0.000000e+00> : vector<1024x64xf32>
    %dot_general3A_32 = tpu.matmul %dot_general3A_27, %get3A_30, %dot_general3A_31 {dimension_numbers = #tpu.dot_dimension_numbers<[1], [0], [0], [1], [0, 0, 1, 1], [], []>, transpose_lhs_hint = false} : vector<1024x64xf32>, vector<64x64xf32>, vector<1024x64xf32> -> vector<1024x64xf32>
    %add3A = arith.addf %get3A_1, %dot_general3A_32 : vector<1024x64xf32>
    %swap3A = arith.constant 0 : index
    %swap3A_33 = arith.constant 0 : index
    %swap3A_34 = vector.load %arg5[%swap3A, %swap3A_33] : memref<1024x64xf32, #tpu.memory_space<vmem>>, vector<1024x64xf32>
    tpu.vector_store %arg5[%swap3A, %swap3A_33], %add3A {strides = array<i32>} : memref<1024x64xf32, #tpu.memory_space<vmem>>, vector<1024x64xf32>,
    return
  }
}

module attributes {stable_mosaic.version = 14 : i64} {
  func.func @_cross_kernel(%arg0: i32, %arg1: memref<1536x64xf32, #tpu.memory_space<vmem>>, %arg2: memref<1024x64xf32, #tpu.memory_space<vmem>>, %arg3: memref<64x64xf32, #tpu.memory_space<vmem>>, %arg4: memref<64x64xf32, #tpu.memory_space<vmem>>, %arg5: memref<64x64xf32, #tpu.memory_space<vmem>>, %arg6: memref<64x64xf32, #tpu.memory_space<vmem>>, %arg7: memref<64x64xf32, #tpu.memory_space<vmem>>, %arg8: memref<64x64xf32, #tpu.memory_space<vmem>>, %arg9: memref<64x64xf32, #tpu.memory_space<vmem>>, %arg10: memref<64x64xf32, #tpu.memory_space<vmem>>, %arg11: memref<1536x64xf32, #tpu.memory_space<vmem>>) attributes {dimension_semantics = [#tpu.dimension_semantics<arbitrary>], iteration_bounds = array<i64: 8>, scalar_prefetch = 0 : i64, scratch_operands = 0 : i64, tpu.core_type = #tpu.core_type<tc>, window_params = [{transform_indices = @transform_0, window_bounds = array<i64: 1536, 64>}, {pipeline_mode = #tpu.pipeline_mode<synchronous>, transform_indices = @transform_1, window_bounds = array<i64: 1024, 64>}, {pipeline_mode = #tpu.pipeline_mode<synchronous>, transform_indices = @transform_2, window_bounds = array<i64: 64, 64>}, {pipeline_mode = #tpu.pipeline_mode<synchronous>, transform_indices = @transform_3, window_bounds = array<i64: 64, 64>}, {pipeline_mode = #tpu.pipeline_mode<synchronous>, transform_indices = @transform_4, window_bounds = array<i64: 64, 64>}, {pipeline_mode = #tpu.pipeline_mode<synchronous>, transform_indices = @transform_5, window_bounds = array<i64: 64, 64>}, {pipeline_mode = #tpu.pipeline_mode<synchronous>, transform_indices = @transform_6, window_bounds = array<i64: 64, 64>}, {pipeline_mode = #tpu.pipeline_mode<synchronous>, transform_indices = @transform_7, window_bounds = array<i64: 64, 64>}, {pipeline_mode = #tpu.pipeline_mode<synchronous>, transform_indices = @transform_8, window_bounds = array<i64: 64, 64>}, {pipeline_mode = #tpu.pipeline_mode<synchronous>, transform_indices = @transform_9, window_bounds = array<i64: 64, 64>}, {transform_indices = @transform_10, window_bounds = array<i64: 1536, 64>}]} {
    %get3A = arith.constant 0 : index
    %get3A_0 = arith.constant 0 : index
    %get3A_1 = vector.load %arg2[%get3A, %get3A_0] : memref<1024x64xf32, #tpu.memory_space<vmem>>, vector<1024x64xf32>
    %get3A_2 = arith.constant 0 : index
    %get3A_3 = arith.constant 0 : index
    %get3A_4 = vector.load %arg1[%get3A_2, %get3A_3] : memref<1536x64xf32, #tpu.memory_space<vmem>>, vector<1536x64xf32>
    %get3A_5 = arith.constant 0 : index
    %get3A_6 = arith.constant 0 : index
    %get3A_7 = vector.load %arg3[%get3A_5, %get3A_6] : memref<64x64xf32, #tpu.memory_space<vmem>>, vector<64x64xf32>
    %dot_general3A = arith.constant dense<0.000000e+00> : vector<1536x64xf32>
    %dot_general3A_8 = tpu.matmul %get3A_4, %get3A_7, %dot_general3A {dimension_numbers = #tpu.dot_dimension_numbers<[1], [0], [0], [1], [0, 0, 1, 1], [], []>, transpose_lhs_hint = false} : vector<1536x64xf32>, vector<64x64xf32>, vector<1536x64xf32> -> vector<1536x64xf32>
    %get3A_9 = arith.constant 0 : index
    %get3A_10 = arith.constant 0 : index
    %get3A_11 = vector.load %arg4[%get3A_9, %get3A_10] : memref<64x64xf32, #tpu.memory_space<vmem>>, vector<64x64xf32>
    %dot_general3A_12 = arith.constant dense<0.000000e+00> : vector<1024x64xf32>
    %dot_general3A_13 = tpu.matmul %get3A_1, %get3A_11, %dot_general3A_12 {dimension_numbers = #tpu.dot_dimension_numbers<[1], [0], [0], [1], [0, 0, 1, 1], [], []>, transpose_lhs_hint = false} : vector<1024x64xf32>, vector<64x64xf32>, vector<1024x64xf32> -> vector<1024x64xf32>
    %get3A_14 = arith.constant 0 : index
    %get3A_15 = arith.constant 0 : index
    %get3A_16 = vector.load %arg5[%get3A_14, %get3A_15] : memref<64x64xf32, #tpu.memory_space<vmem>>, vector<64x64xf32>
    %dot_general3A_17 = arith.constant dense<0.000000e+00> : vector<1024x64xf32>
    %dot_general3A_18 = tpu.matmul %get3A_1, %get3A_16, %dot_general3A_17 {dimension_numbers = #tpu.dot_dimension_numbers<[1], [0], [0], [1], [0, 0, 1, 1], [], []>, transpose_lhs_hint = false} : vector<1024x64xf32>, vector<64x64xf32>, vector<1024x64xf32> -> vector<1024x64xf32>
    %dot_general3A_19 = arith.constant dense<0.000000e+00> : vector<1536x1024xf32>
    %dot_general3A_20 = tpu.matmul %dot_general3A_8, %dot_general3A_13, %dot_general3A_19 {dimension_numbers = #tpu.dot_dimension_numbers<[1], [1], [0], [0], [0, 0, 1, 0], [], []>, transpose_lhs_hint = false} : vector<1536x64xf32>, vector<1024x64xf32>, vector<1536x1024xf32> -> vector<1536x1024xf32>
    %div3A = arith.constant 8.000000e+00 : f32
    %div3A_21 = vector.broadcast %div3A : f32 to vector<1536x1024xf32>
    %div3A_22 = arith.divf %dot_general3A_20, %div3A_21 : vector<1536x1024xf32>
    %reduce_max3A = arith.constant dense<0xFF800000> : vector<1536xf32>
    %reduce_max3A_23 = vector.multi_reduction <maximumf>, %div3A_22, %reduce_max3A [1] : vector<1536x1024xf32> to vector<1536xf32>
    %broadcast_in_dim3A = vector.shape_cast %reduce_max3A_23 : vector<1536xf32> to vector<1536x1xf32>
    %sub3A = vector.broadcast %broadcast_in_dim3A : vector<1536x1xf32> to vector<1536x1024xf32>
    %sub3A_24 = arith.subf %div3A_22, %sub3A : vector<1536x1024xf32>
    %exp3A = math.exp %sub3A_24 : vector<1536x1024xf32>
    %reduce_sum3A = arith.constant dense<0.000000e+00> : vector<1536xf32>
    %reduce_sum3A_25 = vector.multi_reduction <add>, %exp3A, %reduce_sum3A [1] : vector<1536x1024xf32> to vector<1536xf32>
    %broadcast_in_dim3A_26 = vector.shape_cast %reduce_sum3A_25 : vector<1536xf32> to vector<1536x1xf32>
    %div3A_27 = vector.broadcast %broadcast_in_dim3A_26 : vector<1536x1xf32> to vector<1536x1024xf32>
    %div3A_28 = arith.divf %exp3A, %div3A_27 : vector<1536x1024xf32>
    %dot_general3A_29 = arith.constant dense<0.000000e+00> : vector<1536x64xf32>
    %dot_general3A_30 = tpu.matmul %div3A_28, %dot_general3A_18, %dot_general3A_29 {dimension_numbers = #tpu.dot_dimension_numbers<[1], [0], [0], [1], [0, 0, 1, 1], [], []>, transpose_lhs_hint = false} : vector<1536x1024xf32>, vector<1024x64xf32>, vector<1536x64xf32> -> vector<1536x64xf32>
    %get3A_31 = arith.constant 0 : index
    %get3A_32 = arith.constant 0 : index
    %get3A_33 = vector.load %arg6[%get3A_31, %get3A_32] : memref<64x64xf32, #tpu.memory_space<vmem>>, vector<64x64xf32>
    %dot_general3A_34 = arith.constant dense<0.000000e+00> : vector<1536x64xf32>
    %dot_general3A_35 = tpu.matmul %dot_general3A_30, %get3A_33, %dot_general3A_34 {dimension_numbers = #tpu.dot_dimension_numbers<[1], [0], [0], [1], [0, 0, 1, 1], [], []>, transpose_lhs_hint = false} : vector<1536x64xf32>, vector<64x64xf32>, vector<1536x64xf32> -> vector<1536x64xf32>
    %add3A = arith.addf %get3A_4, %dot_general3A_35 : vector<1536x64xf32>
    %get3A_36 = arith.constant 0 : index
    %get3A_37 = arith.constant 0 : index
    %get3A_38 = vector.load %arg7[%get3A_36, %get3A_37] : memref<64x64xf32, #tpu.memory_space<vmem>>, vector<64x64xf32>
    %dot_general3A_39 = arith.constant dense<0.000000e+00> : vector<1536x64xf32>
    %dot_general3A_40 = tpu.matmul %add3A, %get3A_38, %dot_general3A_39 {dimension_numbers = #tpu.dot_dimension_numbers<[1], [0], [0], [1], [0, 0, 1, 1], [], []>, transpose_lhs_hint = false} : vector<1536x64xf32>, vector<64x64xf32>, vector<1536x64xf32> -> vector<1536x64xf32>
    %get3A_41 = arith.constant 0 : index
    %get3A_42 = arith.constant 0 : index
    %get3A_43 = vector.load %arg8[%get3A_41, %get3A_42] : memref<64x64xf32, #tpu.memory_space<vmem>>, vector<64x64xf32>
    %dot_general3A_44 = arith.constant dense<0.000000e+00> : vector<1024x64xf32>
    %dot_general3A_45 = tpu.matmul %get3A_1, %get3A_43, %dot_general3A_44 {dimension_numbers = #tpu.dot_dimension_numbers<[1], [0], [0], [1], [0, 0, 1, 1], [], []>, transpose_lhs_hint = false} : vector<1024x64xf32>, vector<64x64xf32>, vector<1024x64xf32> -> vector<1024x64xf32>
    %get3A_46 = arith.constant 0 : index
    %get3A_47 = arith.constant 0 : index
    %get3A_48 = vector.load %arg9[%get3A_46, %get3A_47] : memref<64x64xf32, #tpu.memory_space<vmem>>, vector<64x64xf32>
    %dot_general3A_49 = arith.constant dense<0.000000e+00> : vector<1024x64xf32>
    %dot_general3A_50 = tpu.matmul %get3A_1, %get3A_48, %dot_general3A_49 {dimension_numbers = #tpu.dot_dimension_numbers<[1], [0], [0], [1], [0, 0, 1, 1], [], []>, transpose_lhs_hint = false} : vector<1024x64xf32>, vector<64x64xf32>, vector<1024x64xf32> -> vector<1024x64xf32>
    %dot_general3A_51 = arith.constant dense<0.000000e+00> : vector<1536x1024xf32>
    %dot_general3A_52 = tpu.matmul %dot_general3A_40, %dot_general3A_45, %dot_general3A_51 {dimension_numbers = #tpu.dot_dimension_numbers<[1], [1], [0], [0], [0, 0, 1, 0], [], []>, transpose_lhs_hint = false} : vector<1536x64xf32>, vector<1024x64xf32>, vector<1536x1024xf32> -> vector<1536x1024xf32>
    %div3A_53 = arith.constant 8.000000e+00 : f32
    %div3A_54 = vector.broadcast %div3A_53 : f32 to vector<1536x1024xf32>
    %div3A_55 = arith.divf %dot_general3A_52, %div3A_54 : vector<1536x1024xf32>
    %reduce_max3A_56 = arith.constant dense<0xFF800000> : vector<1536xf32>
    %reduce_max3A_57 = vector.multi_reduction <maximumf>, %div3A_55, %reduce_max3A_56 [1] : vector<1536x1024xf32> to vector<1536xf32>
    %broadcast_in_dim3A_58 = vector.shape_cast %reduce_max3A_57 : vector<1536xf32> to vector<1536x1xf32>
    %sub3A_59 = vector.broadcast %broadcast_in_dim3A_58 : vector<1536x1xf32> to vector<1536x1024xf32>
    %sub3A_60 = arith.subf %div3A_55, %sub3A_59 : vector<1536x1024xf32>
    %exp3A_61 = math.exp %sub3A_60 : vector<1536x1024xf32>
    %reduce_sum3A_62 = arith.constant dense<0.000000e+00> : vector<1536xf32>
    %reduce_sum3A_63 = vector.multi_reduction <add>, %exp3A_61, %reduce_sum3A_62 [1] : vector<1536x1024xf32> to vector<1536xf32>
    %broadcast_in_dim3A_64 = vector.shape_cast %reduce_sum3A_63 : vector<1536xf32> to vector<1536x1xf32>
    %div3A_65 = vector.broadcast %broadcast_in_dim3A_64 : vector<1536x1xf32> to vector<1536x1024xf32>
    %div3A_66 = arith.divf %exp3A_61, %div3A_65 : vector<1536x1024xf32>
    %dot_general3A_67 = arith.constant dense<0.000000e+00> : vector<1536x64xf32>
    %dot_general3A_68 = tpu.matmul %div3A_66, %dot_general3A_50, %dot_general3A_67 {dimension_numbers = #tpu.dot_dimension_numbers<[1], [0], [0], [1], [0, 0, 1, 1], [], []>, transpose_lhs_hint = false} : vector<1536x1024xf32>, vector<1024x64xf32>, vector<1536x64xf32> -> vector<1536x64xf32>
    %get3A_69 = arith.constant 0 : index
    %get3A_70 = arith.constant 0 : index
    %get3A_71 = vector.load %arg10[%get3A_69, %get3A_70] : memref<64x64xf32, #tpu.memory_space<vmem>>, vector<64x64xf32>
    %dot_general3A_72 = arith.constant dense<0.000000e+00> : vector<1536x64xf32>
    %dot_general3A_73 = tpu.matmul %dot_general3A_68, %get3A_71, %dot_general3A_72 {dimension_numbers = #tpu.dot_dimension_numbers<[1], [0], [0], [1], [0, 0, 1, 1], [], []>, transpose_lhs_hint = false} : vector<1536x64xf32>, vector<64x64xf32>, vector<1536x64xf32> -> vector<1536x64xf32>
    %add3A_74 = arith.addf %add3A, %dot_general3A_73 : vector<1536x64xf32>
    %swap3A = arith.constant 0 : index
    %swap3A_75 = arith.constant 0 : index
    %swap3A_76 = vector.load %arg11[%swap3A, %swap3A_75] : memref<1536x64xf32, #tpu.memory_space<vmem>>, vector<1536x64xf32>
    tpu.vector_store %arg11[%swap3A, %swap3A_75], %add3A_74 {strides = array<i32>} : memref<1536x64xf32, #tpu.memory_space<vmem>>, vector<1536x64xf32>,
    return
  }
  func.func @transform_0(%arg0: i32) -> (i32, i32) {
    %c0_i32 = arith.constant 0 : i32
    %c0_i32_0 = arith.constant 0 : i32
    return %arg0, %c0_i32 : i32, i32
  }
  func.func @transform_1(%arg0: i32) -> (i32, i32) {
    %c0_i32 = arith.constant 0 : i32
    %c0_i32_0 = arith.constant 0 : i32
    %c0_i32_1 = arith.constant 0 : i32
    return %c0_i32, %c0_i32_0 : i32, i32
  }
  func.func @transform_2(%arg0: i32) -> (i32, i32) {
    %c0_i32 = arith.constant 0 : i32
    %c0_i32_0 = arith.constant 0 : i32
    %c0_i32_1 = arith.constant 0 : i32
    return %c0_i32, %c0_i32_0 : i32, i32
  }
  func.func @transform_3(%arg0: i32) -> (i32, i32) {
    %c0_i32 = arith.constant 0 : i32
    %c0_i32_0 = arith.constant 0 : i32
    %c0_i32_1 = arith.constant 0 : i32
    return %c0_i32, %c0_i32_0 : i32, i32
  }
  func.func @transform_4(%arg0: i32) -> (i32, i32) {
    %c0_i32 = arith.constant 0 : i32
    %c0_i32_0 = arith.constant 0 : i32
    %c0_i32_1 = arith.constant 0 : i32
    return %c0_i32, %c0_i32_0 : i32, i32
  }
  func.func @transform_5(%arg0: i32) -> (i32, i32) {
    %c0_i32 = arith.constant 0 : i32
    %c0_i32_0 = arith.constant 0 : i32
    %c0_i32_1 = arith.constant 0 : i32
    return %c0_i32, %c0_i32_0 : i32, i32
  }
  func.func @transform_6(%arg0: i32) -> (i32, i32) {
    %c0_i32 = arith.constant 0 : i32
    %c0_i32_0 = arith.constant 0 : i32
    %c0_i32_1 = arith.constant 0 : i32
    return %c0_i32, %c0_i32_0 : i32, i32
  }
  func.func @transform_7(%arg0: i32) -> (i32, i32) {
    %c0_i32 = arith.constant 0 : i32
    %c0_i32_0 = arith.constant 0 : i32
    %c0_i32_1 = arith.constant 0 : i32
    return %c0_i32, %c0_i32_0 : i32, i32
  }
  func.func @transform_8(%arg0: i32) -> (i32, i32) {
    %c0_i32 = arith.constant 0 : i32
    %c0_i32_0 = arith.constant 0 : i32
    %c0_i32_1 = arith.constant 0 : i32
    return %c0_i32, %c0_i32_0 : i32, i32
  }
  func.func @transform_9(%arg0: i32) -> (i32, i32) {
    %c0_i32 = arith.constant 0 : i32
    %c0_i32_0 = arith.constant 0 : i32
    %c0_i32_1 = arith.constant 0 : i32
    return %c0_i32, %c0_i32_0 : i32, i32
  }
  func.func @transform_10(%arg0: i32) -> (i32, i32) {
    %c0_i32 = arith.constant 0 : i32
    %c0_i32_0 = arith.constant 0 : i32
    return %arg0, %c0_i32 : i32, i32
  }
}

</mosaic_0001>

<sc_bundles>
// kernel: gather_offload_async_start.1
scs
__scs_entry_jumppad:
0x0: {  	(pc) =	sbr.rel $0x88, $3  }
0x1: {  	(tag) =	ssettag $0x0;
	lr =	simm.s32 $0x1  }
0x2: {  	[smem:$0x3F8F] =	sst lr;
	_ =	strace $0xD0000000  }
0x3: {  	_ = 	snop  }
0x4: {  	_ = 	snop  }
0x5: {  	_ = 	snop  }
0x6: {  	_ = 	snop  }
0x7: {  	_ = 	snop  }
__scs_overlays_trampoline_lowered:
0x8: {  	[smem:$0x3F9E] =	sst s0  }
0x9: {  	[smem:$0x3F9F] =	sst s1  }
0xa: {  	[smem:$0x3FA0] =	sst s2  }
0xb: {  	[smem:$0x3FA1] =	sst s3  }
0xc: {  	[smem:$0x3FA2] =	sst s4  }
0xd: {  	[smem:$0x3FA3] =	sst s5  }
0xe: {  	[smem:$0x3FA4] =	sst s6  }
0xf: {  	[smem:$0x3FA5] =	sst s7  }
0x10: {  	[smem:$0x3FA6] =	sst s8  }
0x11: {  	[smem:$0x3FA7] =	sst s9;
	s0 =	simm.s32 @!p0 $0x0  }
0x12: {  	s1 =	sld [smem:$0x3F8D];
	s0 =	simm.s32 @p0 $0x1  }
0x13: {  	[smem:$0x3FA8] =	sst s0;
	s0 =	simm.s32 @!p1 $0x0  }
0x14: {  	s2 =	sld [smem:$0x3F8C];
	s0 =	simm.s32 @p1 $0x1  }
0x15: {  	[smem:$0x3FA9] =	sst s0;
	s0 =	simm.s32 @!p2 $0x0  }
0x16: {  	s3 =	sld [smem:$0x3FDB];
	s0 =	simm.s32 @p2 $0x1  }
0x17: {  	s4 =	simm.s32 $0x1BF5;
	[smem:$0x3FAB] =	sst s0  }
0x18: {  	s0 =	sld [smem:$0x3F8E];
	_ =	swait.ge [sflag:s4], $0x0  }
0x19: {  	s7 =	sld [smem:$0x3F8F]  }
0x1a: {  	s8 =	sadd.s32 $0xFFFFE003, lr  }
0x1b: {  	s9 =	sadd.s32 $0xFFFFFEF7, lr;
	s5 =	simm.s32 $0xFFFFFFFF;
	p2 =	slt.u32 s8, $0xFFFFF086  }
0x1c: {  	p1 =	slt.u32 s9, $0xF7A;
	s5 =	simm.s32 @!p2 $0x0  }
0x1d: {  	s5 =	simm.s32 @p1 $0x1;
	p0 =	seq.s32 s7, s2  }
0x1e: {  	s7 =	smul.u32 @!p0 $0xF7A, s2;
	p2 =	seq.s32 @!p0 s5, $0x0  }
0x1f: {  	s9 =	smul.u32 $0xF7A, s1;
	s8 =	simm.s32 @!p0 $0x1BF5;
	p2 =	por !p2, p0  }
0x20: {  	[sflag:s8] =	ssyncset.s32 @!p0 $0xFFFFF086;
	s6 =	sadd.s32 @!p0 s3, s7;
	s7 =	simm.s32 @!p0 $0x108  }
0x21: {  	s3 =	sadd.s32 s3, s9;
	s6 =	sadd.s32 @!p0 $0x88, s6;
	s7 =	simm.s32 @p2 $0x1082  }
0x22: {  	[simem:s7], [sflag:s8] =	dma.local @!p0 [hbm:s6], $0xF7A  }
0x23: {  	s9 =	sor.u32 $0xD0000000, s2;
	s6 =	simm.s32 $0x108;
	_ =	swait.ge @!p0 [sflag:s8], $0x0  }
0x24: {  	s3 =	sadd.s32 $0x88, s3;
	s6 =	simm.s32 @!p1 $0x1082;
	[sflag:s4] =	ssyncset.s32 $0xFFFFF086  }
0x25: {  	[simem:s6], [sflag:s4] =	dma.local [hbm:s3], $0xF7A  }
0x26: {  	[smem:$0x3F8F] =	sst s1;
	(tag) =	ssettag s2;
	_ =	strace s9  }
0x27: {  	s1 =	sld [smem:$0x3F9F]  }
0x28: {  	s2 =	sld [smem:$0x3FA0]  }
0x29: {  	s4 =	sld [smem:$0x3FA2]  }
0x2a: {  	p0 =	seq.s32 s5, $0x0;
	s5 =	sld [smem:$0x3FA3]  }
0x2b: {  	s6 =	sld [smem:$0x3FA4]  }
0x2c: {  	s7 =	sld [smem:$0x3FA5]  }
0x2d: {  	s3 =	simm.s32 $0x108;
	s8 =	sld [smem:$0x3FA6]  }
0x2e: {  	s3 =	simm.s32 @!p0 $0x1082;
	s9 =	sld [smem:$0x3FA7]  }
0x2f: {  	lr =	sadd.s32 s0, s3;
	s0 =	sld [smem:$0x3F9E]  }
0x30: {  	s3 =	sld [smem:$0x3FA1]  }
0x31: {  	[smem:$0x3FAA] =	sst s10  }
0x32: {  	s10 =	sld [smem:$0x3FA8];
	_ =	sdelay $0x3  }
0x33: {  	p0 =	seq.s32 s10, $0x1;
	s10 =	sld [smem:$0x3FAA];
	_ =	sdelay $0x3  }
0x34: {  	[smem:$0x3FAA] =	sst s10  }
0x35: {  	s10 =	sld [smem:$0x3FA9];
	_ =	sdelay $0x3  }
0x36: {  	p1 =	seq.s32 s10, $0x1;
	s10 =	sld [smem:$0x3FAA];
	_ =	sdelay $0x3  }
0x37: {  	[smem:$0x3FAA] =	sst s10  }
0x38: {  	s10 =	sld [smem:$0x3FAB]  }
0x39: {  	_ = 	snop;
	(pc) =	sbr.ind lr, $3  }
0x3a: {  	_ = 	snop  }
0x3b: {  	_ = 	snop  }
0x3c: {  	p2 =	seq.s32 s10, $0x1;
	s10 =	sld [smem:$0x3FAA]  }
0x3d: {  	_ =	shalt  }
0x3e: {  	_ =	shalt  }
0x3f: {  	_ =	shalt  }
0x40: {  	_ =	shalt  }
0x41: {  	_ =	shalt  }
0x42: {  	_ =	shalt  }
0x43: {  	_ =	shalt  }
0x44: {  	_ =	shalt  }
0x45: {  	_ =	shalt  }
0x46: {  	_ =	shalt  }
0x47: {  	_ =	shalt  }
0x48: {  	_ =	shalt  }
0x49: {  	_ =	shalt  }
0x4a: {  	_ =	shalt  }
0x4b: {  	_ =	shalt  }
0x4c: {  	_ =	shalt  }
0x4d: {  	_ =	shalt  }
0x4e: {  	_ =	shalt  }
0x4f: {  	_ =	shalt  }
0x50: {  	_ =	shalt  }
0x51: {  	_ =	shalt  }
0x52: {  	_ =	shalt  }
0x53: {  	_ =	shalt  }
0x54: {  	_ =	shalt  }
0x55: {  	_ =	shalt  }
0x56: {  	_ =	shalt  }
0x57: {  	_ =	shalt  }
0x58: {  	_ =	shalt  }
0x59: {  	_ =	shalt  }
0x5a: {  	_ =	shalt  }
0x5b: {  	_ =	shalt  }
0x5c: {  	_ =	shalt  }
0x5d: {  	_ =	shalt  }
0x5e: {  	_ =	shalt  }
0x5f: {  	_ =	shalt  }
0x60: {  	_ =	shalt  }
0x61: {  	_ =	shalt  }
0x62: {  	_ =	shalt  }
0x63: {  	_ =	shalt  }
0x64: {  	_ =	shalt  }
0x65: {  	_ =	shalt  }
0x66: {  	_ =	shalt  }
0x67: {  	_ =	shalt  }
0x68: {  	_ =	shalt  }
0x69: {  	_ =	shalt  }
0x6a: {  	_ =	shalt  }
0x6b: {  	_ =	shalt  }
0x6c: {  	_ =	shalt  }
0x6d: {  	_ =	shalt  }
0x6e: {  	_ =	shalt  }
0x6f: {  	_ =	shalt  }
0x70: {  	_ =	shalt  }
0x71: {  	_ =	shalt  }
0x72: {  	_ =	shalt  }
0x73: {  	_ =	shalt  }
0x74: {  	_ =	shalt  }
0x75: {  	_ =	shalt  }
0x76: {  	_ =	shalt  }
0x77: {  	_ =	shalt  }
0x78: {  	_ =	shalt  }
0x79: {  	_ =	shalt  }
0x7a: {  	_ =	shalt  }
0x7b: {  	_ =	shalt  }
0x7c: {  	_ =	shalt  }
0x7d: {  	_ =	shalt  }
0x7e: {  	_ =	shalt  }
0x7f: {  	_ =	shalt  }
0x80: {  	_ =	shalt  }
0x81: {  	_ =	shalt  }
0x82: {  	_ =	shalt  }
0x83: {  	_ =	shalt  }
0x84: {  	_ =	shalt  }
0x85: {  	_ =	shalt  }
0x86: {  	_ =	shalt  }
0x87: {  	_ =	shalt  }
.Lfunc_end0:
.L_simem_size_0:
called_computation.2_lowered:
.L_overlay_start_0:
0x88: {  	s2 =	sld [smem:$0x3FD9]  }
0x89: {  	s3 =	sld [smem:$0x3FFE];
	_ =	sdelay $0x1  }
0x8a: {  	s1 =	srdreg.scid  }
0x8b: {  	s0 =	sand.u32 $0x1, s1  }
0x8c: {  	s15 =	sshll.u32 s0, $0xA;
	s2 =	sadd.s32 s3, s2  }
0x8d: {  	s2 =	sadd.s32 s2, s15  }
0x8e: {  	[smem:$0x3FB6] =	sst s2  }
0x8f: {  	_ = 	snop  }
0x90: {  	s2 =	sld [smem:$0x3FD0];
	_ =	sdelay $0x2  }
0x91: {  	s4 =	simm.s32 $0xB;
	s16 =	simm.s32 $0x10  }
0x92: {  	[smem:s16], [sflag:s4] =	dma.local [hbm:s2], $0x1  }
0x93: {  	_ =	swait.eq [sflag:s4], $0x1  }
0x94: {  	[sflag:s4] =	ssyncset.done $0x0  }
0x95: {  	s17 =	sld [smem:$0x10];
	[sflag:s4] =	ssyncadd.s32 $0xFFFFFFFF  }
0x96: {  	s18 =	sld [smem:$0x11];
	(tm) =	ssettm $0x1  }
0x97: {  	s19 =	sld [smem:$0x3FFB];
	_ =	sdelay $0x3  }
0x98: {  	_ =	strace s19  }
0x99: {  	s2 =	sld [smem:$0x3FFC];
	_ =	sdelay $0x3  }
0x9a: {  	_ =	strace s2  }
0x9b: {  	s2 =	sld [smem:$0x3FFD];
	_ =	sdelay $0x3  }
0x9c: {  	_ =	strace s2  }
0x9d: {  	_ =	strace $0x8FFFFFFF  }
0x9e: {  	s20 =	sld [smem:$0x3FDB];
	_ =	sdelay $0x1  }
0x9f: {  	s5 =	simm.s32 $_scs_section_size  }
0xa0: {  	s6 =	simm.s32 $_size__tile_overlayer_lowered;
	s7 =	simm.s32 $_tile_overlayer_lowered  }
0xa1: {  	s8 =	simm.s32 $0x1BFF;
	s21 =	sshll.u32 s7, $0x1;
	s5 =	sadd.s32 s5, s20  }
0xa2: {  	s22 =	simm.s32 $0x0;
	s6 =	sshll.u32 s6, $0x1;
	s7 =	sadd.s32 s21, s5  }
0xa3: {  	[timem:s22], [sflag:s8] =	dma.local [hbm:s7], s6  }
0xa4: {  	_ =	swait.ge [sflag:s8], s6  }
0xa5: {  	s6 =	ssub.s32 $0x0, s6;
	[sflag:s8] =	ssyncset.done $0x0  }
0xa6: {  	[sflag:s8] =	ssyncadd.s32 s6;
	_ =	sdelay $0x1  }
0xa7: {  	s23 =	simm.s32 $0x1B8B  }
0xa8: {  	_ =	swait.ge [sflag:s23], $0x1  }
0xa9: {  	[sflag:s23] =	ssyncset.done $0x0  }
0xaa: {  	[sflag:s23] =	ssyncadd.s32 $0xFFFFFFFF  }
0xab: {  	s6 =	sld [smem:$0x0]  }
0xac: {  	s7 =	sand.u32 $0xFFFFFFFE, s1  }
0xad: {  	p0 =	sne.s32 s1, s7  }
0xae: {  	s7 =	sshll.u32 @p0 s7, $0xE  }
0xaf: {  	s7 =	sadd.s32 @p0 $0x11B8D, s7;
	s8 =	sshll.u32 @p0 s6, $0x11  }
0xb0: {  	s7 =	sor.u32 @p0 s8, s7  }
0xb1: {  	[sflag:s7] =	ssyncadd.remote.s32 @p0 $0x1;
	_ =	sdelay $0x1  }
0xb2: {  	s7 =	simm.s32 @p0 $0x1B8D  }
0xb3: {  	_ =	swait.eq @p0 [sflag:s7], $0x1  }
0xb4: {  	[sflag:s7] =	ssyncadd.s32 @p0 $0xFFFFFFFF  }
0xb5: {  	s8 =	sshll.u32 @!p0 s1, $0xE  }
0xb6: {  	s8 =	sor.u32 @!p0 $0x4000, s8;
	s7 =	simm.s32 @!p0 $0x1B8D  }
0xb7: {  	s6 =	sshll.u32 @!p0 s6, $0x11;
	s8 =	sadd.s32 @!p0 $0x11B8D, s8;
	_ =	swait.eq @!p0 [sflag:s7], $0x1  }
0xb8: {  	s6 =	sor.u32 @!p0 s6, s8;
	[sflag:s7] =	ssyncadd.s32 @!p0 $0xFFFFFFFF  }
0xb9: {  	s25 =	simm.s32 $0x1B8E;
	s24 =	sld [smem:$0x3FFE];
	[sflag:s6] =	ssyncadd.remote.s32 @!p0 $0x1  }
0xba: {  	s26 =	simm.s32 $execute0_lowered;
	[smem:$0x3FD2] =	sst s25  }
0xbb: {  	s7 =	sshll.u32 s26, $0x1;
	_ =	strace $0x80000049;
	[dreg:$0x1] =	wrdreg $0xFFFFFFFF  }
0xbc: {  	s28 =	simm.s32 $_size_execute0_lowered;
	s5 =	sadd.s32 s5, s7;
	[dreg:$0x0] =	wrdreg $0x0  }
0xbd: {  	s7 =	sshll.u32 s28, $0x1;
	[dreg:$0x2] =	wrdreg s5  }
0xbe: {  	[dreg:$0x3] =	wrdreg s7  }
0xbf: {  	[dreg:$0x4] =	wrdreg $0xC0  }
0xc0: {  	_ =	task [dreg:s22], $0x5FFFF  }
0xc1: {  	[dreg:$0x1] =	wrdreg $0xFFFFFFFF  }
0xc2: {  	[dreg:$0x0] =	wrdreg $0x60  }
0xc3: {  	[dreg:$0x2] =	wrdreg s24  }
0xc4: {  	[dreg:$0x3] =	wrdreg s18  }
0xc5: {  	[dreg:$0x4] =	wrdreg s17  }
0xc6: {  	[dreg:$0x5] =	wrdreg $0xA  }
0xc7: {  	_ =	task.clear_ibuf [dreg:s22], $0x6FFFF;
	_ =	strace $0x90000049  }
0xc8: {  	s29 =	simm.s32 $0xA;
	_ =	strace $0x8000004B  }
0xc9: {  	_ =	swait.ge [sflag:s29], $0x1  }
0xca: {  	[sflag:s29] =	ssyncadd.s32 $0xFFFFFFFF  }
0xcb: {  	_ =	strace $0x9000004B  }
0xcc: {  	_ =	sfence  }
0xcd: {  	s30 =	sld [smem:$0x0];
	_ =	sdelay $0x2  }
0xce: {  	s31 =	sshll.u32 s1, $0xD;
	s1 =	sshrl.u32 s1, $0x2  }
0xcf: {  	s4 =	sand.u32 $0x4000, s31;
	s1 =	sadd.s32 s1, s30  }
0xd0: {  	s0 =	sor.u32 s4, s0;
	s1 =	sshll.u32 s1, $0x11  }
0xd1: {  	s0 =	sor.u32 s1, s0  }
0xd2: {  	s0 =	sadd.s32 $0x8F2B, s0  }
0xd3: {  	[sflag:s0] =	ssyncadd.remote.s32 $0x1  }
0xd4: {  	_ =	sfence.sel $0xFFFF  }
0xd5: {  	[dreg:$0x0] =	wrdreg $0xFFFFFFFF;
	(pc) =	sbr.abs _section_cstart, $3  }
0xd6: {  	[dreg:$0x1] =	wrdreg $0xFFFFFFFF  }
0xd7: {  	_ =	task.clear_ibuf [dreg:s22], $0x2FFFF;
	_ =	strace $0x9FFFFFFF  }
0xd8: {  	(tm) =	ssettm $0x7FFFFFFF  }
0xd9: {  	_ =	shalt  }
tec
execute0_lowered:
.L_overlay_start_1:
0x0: {  	(tag) =	ssettag $0x1  }
0x1: {  	s7 =	rddreg [dreg:$0x0]  }
0x2: {  	s2 =	rddreg [dreg:$0x1]  }
0x3: {  	s3 =	rddreg [dreg:$0x2]  }
0x4: {  	s0 =	rddreg [dreg:$0x3];
	s1 =	srdreg.scid;
	_ =	strace $0x8000004A  }
0x5: {  	s4 =	simm.s32 $0x1;
	s9 =	simm.s32 $0x3;
	s5 =	sshll.u32 s1, $0x4  }
.Ltmp0:
0x6: {  	s1 =	stileid.u32;
	s5 =	sand.u32 $0x10, s5;
	(pc) =	sbr.rel .LBB2_1-.Ltmp0, $4  }
0x7: {  	s11 =	simm.s32 $0x0;
	p0 =	por $0x0, $0x0;
	s6 =	sor.u32 s1, s5  }
0x8: {  	[sflag:s4] =	ssyncpa.u1 $0x0;
	s5 =	simm.s32 $0x2;
	s6 =	sshll.u32 s6, $0x9  }
0x9: {  	s7 =	sadd.s32 $0x73E00, s7;
	[sflag:s5] =	ssyncpa.u1 $0x0;
	s8 =	sadd.s32 $0x200, s6  }
0xa: {  	vm0 =	vmmov $0xff;
	vm1 =	vcmask $0x3F20;
	[sflag:s9] =	ssyncpa.u1 $0x0;
	s10 =	smov.u32 s6;
	s9 =	simm.s32 $0x0  }
.LBB2_7:
0xb: {  	p1 =	slt.u32 s9, $0x2;
	s11 =	sadd.s32 $0x100, s10  }
0xc: {  	s13 =	smov.u32 s6;
	s9 =	sadd.s32 $0x1, s9;
	p2 =	slt.s32 s11, s8  }
0xd: {  	s13 =	smov.u32 @p2 s11;
	p2 =	sne.s32 s9, $0x4  }
.Ltmp1:
0xe: {  	_ = 	snop;
	(pc) =	sbr.rel @!p2 .LBB2_8-.Ltmp1, $4  }
0xf: {  	s12 =	simm.s32 @!p1 $0x3  }
0x10: {  	_ =	swait.ge @!p1 [sflag:s12], $0x8000  }
0x11: {  	p0 =	por !p0, !p0;
	[sflag:s12] =	ssyncset.done @!p1 $0x0  }
0x12: {  	s11 =	smov.u32 s10;
	s10 =	smov.u32 s13;
	[sflag:s12] =	ssyncadd.s32 @!p1 $0xFFFF8000  }
.LBB2_1:
0x13: {  	p1 =	sgt.u32 s9, $0x1  }
0x14: {  	s12 =	sshll.u32 @!p1 s9, $0x8;
	s13 =	sshrl.u32 @!p1 s10, $0x3  }
0x15: {  	s14 =	sand.u32 @!p1 $0x7, s10;
	s12 =	sxor.u32 @!p1 $0x100, s12;
	s13 =	sadd.s32 @!p1 s2, s13  }
0x16: {  	[tilespmem:s12], [sflag:$0x2] =	stream.linear.gather @!p1 [hbm4b:s13+s14], $0x100, $0x38;
	[tilespmem:$0x10200] =	vst v63  }
0x17: {  	p1 =	seq.s32 s9, $0x0  }
0x18: {  	p2 =	seq.s32 @!p1 s9, $0x3  }
0x19: {  	p1 =	por p1, p2  }
.Ltmp2:
0x1a: {  	_ = 	snop;
	(pc) =	sbr.rel @p1 .LBB2_7-.Ltmp2, $1  }
0x1b: {  	_ =	sdelay $0x3  }
0x1c: {  	s12 =	simm.s32 $0x1  }
0x1d: {  	_ =	swait.ge [sflag:s5], $0x100;
	s12 =	simm.s32 @!p0 $0x0  }
0x1e: {  	[sflag:s5] =	ssyncset.done $0x0;
	s14 =	sshll.u32 s12, $0x8  }
0x1f: {  	[sflag:s5] =	ssyncadd.s32 $0xFFFFFF00;
	s13 =	sadd.s32 $0x0, s14  }
0x20: {  	v0 =	vld.msk [tilespmem:s13+$0x0 ss:$0x1], $0xffff;
	_ =	sdelay $0x4  }
0x21: {  	vm2 =	vgt.s32 v0, $0x0  }
0x22: {  	v0 =	vnsel vm2, $0x0, v0  }
0x23: {  	v0 =	vmin.u32 v0, $0x2EDF  }
0x24: {  	v0 =	vshll.u32 v0, $0x4;
	_ =	sdelay $0x2  }
0x25: {  	s12 =	sshll.u32 s12, $0xF  }
0x26: {  	s12 =	sor.u32 $0x200, s12  }
0x27: {  	[tilespmem:s12], [sflag:$0x1] =	stream.indirect_vreg.gather [hbm:s7], $0x80, v0, vm0, $0x38;
	[tilespmem:$0x10200] =	vst v63  }
0x28: {  	s15 =	sadd.s32 $0x10, s14;
	s13 =	sadd.s32 $0x400, s12  }
0x29: {  	[tilespmem:s13], [sflag:$0x1] =	stream.indirect_vreg.gather [hbm:s7], $0x80, v0, vm1, $0x38;
	[tilespmem:$0x10200] =	vst v63  }
0x2a: {  	s16 =	simm.s32 $0x80;
	v0 =	vld.msk [tilespmem:s15+$0x0 ss:$0x1], $0xffff;
	s15 =	smov.u32 s12  }
.LBB2_3:
0x2b: {  	p1 =	sne.s32 s16, $0x3C0;
	_ =	sdelay $0x4  }
0x2c: {  	vm2 =	vgt.s32 v0, $0x0  }
0x2d: {  	v0 =	vnsel vm2, $0x0, v0  }
0x2e: {  	v0 =	vmin.u32 v0, $0x2EDF  }
0x2f: {  	v0 =	vshll.u32 v0, $0x4;
	_ =	sdelay $0x3  }
.Ltmp3:
0x30: {  	s17 =	sshra.s32 s16, $0x2;
	s15 =	sadd.s32 $0x800, s15;
	(pc) =	sbr.rel @p1 .LBB2_3-.Ltmp3, $4  }
0x31: {  	[tilespmem:s15], [sflag:$0x1] =	stream.indirect_vreg.gather [hbm:s7], $0x80, v0, vm0, $0x38;
	[tilespmem:$0x10200] =	vst v63  }
0x32: {  	s17 =	sadd.s32 s17, s14;
	s18 =	sadd.s32 $0x400, s15  }
0x33: {  	[tilespmem:s18], [sflag:$0x1] =	stream.indirect_vreg.gather [hbm:s7], $0x80, v0, vm1, $0x38;
	[tilespmem:$0x10200] =	vst v63  }
0x34: {  	s16 =	sadd.s32 $0x40, s16;
	v0 =	vld.msk [tilespmem:s17+$0x0 ss:$0x1], $0xffff  }
0x35: {  	_ =	sdelay $0x3  }
0x36: {  	vm2 =	vgt.s32 v0, $0x0  }
0x37: {  	v0 =	vnsel vm2, $0x0, v0  }
0x38: {  	v0 =	vmin.u32 v0, $0x2EDF  }
0x39: {  	v0 =	vshll.u32 v0, $0x4;
	_ =	sdelay $0x3  }
0x3a: {  	s14 =	sadd.s32 $0x800, s15  }
0x3b: {  	[tilespmem:s14], [sflag:$0x1] =	stream.indirect_vreg.gather [hbm:s7], $0x80, v0, vm0, $0x38;
	[tilespmem:$0x10200] =	vst v63  }
0x3c: {  	s14 =	sadd.s32 $0x400, s14  }
0x3d: {  	[tilespmem:s14], [sflag:$0x1] =	stream.indirect_vreg.gather [hbm:s7], $0x80, v0, vm1, $0x38;
	[tilespmem:$0x10200] =	vst v63  }
0x3e: {  	s11 =	sshll.u32 s11, $0x4;
	_ =	swait.ge [sflag:s4], $0x8000  }
0x3f: {  	s11 =	sadd.s32 s11, s3;
	[sflag:s4] =	ssyncset.done $0x0  }
0x40: {  	s15 =	sadd.s32 $0x0, s11;
	s14 =	simm.s32 $0x80;
	[sflag:s4] =	ssyncadd.s32 $0xFFFF8000  }
.LBB2_5:
0x41: {  	[hbm:s15] =	stream.linear.scatter [tilespmem:s12], [sflag:$0x3], $0x400, $0x38;
	[tilespmem:$0x10200] =	vst v63  }
0x42: {  	s15 =	smov.u32 s14;
	s12 =	smov.u32 s13;
	p1 =	sne.s32 s14, $0xF80  }
.Ltmp4:
0x43: {  	s14 =	sadd.s32 $0x80, s14;
	(pc) =	sbr.rel @p1 .LBB2_5-.Ltmp4, $2  }
0x44: {  	_ =	sdelay $0x2  }
0x45: {  	s13 =	sadd.s32 $0x400, s13;
	s15 =	sadd.s32 s15, s11  }
.Ltmp5:
0x46: {  	(pc) =	sbr.rel .LBB2_7-.Ltmp5, $2  }
0x47: {  	_ =	sdelay $0x2  }
0x48: {  	[hbm:s15] =	stream.linear.scatter [tilespmem:s12], [sflag:$0x3], $0x400, $0x38;
	[tilespmem:$0x10200] =	vst v63  }
.LBB2_8:
0x49: {  	_ =	sfence.sel $0x180000  }
0x4a: {  	s2 =	simm.s32 $0x2;
	[bflag:$0x0] =	sbarrier.arrive $0xFFFF  }
0x4b: {  	s30 =	simm.s32 $0x3;
	[sflag:s2] =	ssyncpa.u1 $0x1  }
0x4c: {  	s31 =	simm.s32 $0x1;
	[sflag:s30] =	ssyncpa.u1 $0x1  }
0x4d: {  	[sflag:s31] =	ssyncpa.u1 $0x1  }
0x4e: {  	p0 =	sne.s32 s1, $0x0;
	_ =	strace $0x9000004A  }
0x4f: {  	s0 =	sadd.s32 @!p0 $0x100000, s0;
	[bflag:$0x2] =	sbarrier.arrive $0xFFFF  }
0x50: {  	[sflag:s0] =	ssyncadd.tile.s32 @!p0 $0x1;
	_ =	shalt  }
.Lfunc_end2:
_tile_overlayer_lowered:
.L_overlay_start_2:
0x51: {  	(tag) =	ssettag $0x2  }
0x52: {  	s0 =	rddreg [dreg:$0x0];
	s2 =	stileid.u32  }
0x53: {  	s1 =	rddreg [dreg:$0x1];
	p0 =	sne.s32 s2, $0x0  }
0x54: {  	s3 =	rddreg [dreg:$0x2];
	[bflag:$0x3] =	sbarrier.arrive $0xFFFF;
	s2 =	simm.s32 @!p0 $0x1C01  }
0x55: {  	[timem:s3], [sflag:s2] =	dma.local @!p0 [hbm:s0], s1  }
0x56: {  	s0 =	simm.s32 @!p0 $0x1  }
0x57: {  	_ =	swait.ge @!p0 [sflag:s0], s1  }
0x58: {  	s1 =	ssub.s32 @!p0 $0x0, s1;
	[sflag:s0] =	ssyncset.done @!p0 $0x0  }
0x59: {  	[sflag:s0] =	ssyncadd.s32 @!p0 s1  }
0x5a: {  	[bflag:$0x3] =	sbarrier.arrive $0xFFFF  }
0x5b: {  	_ =	shalt  }

// kernel: gather_offload_async_start
scs
__scs_entry_jumppad:
0x0: {  	(pc) =	sbr.rel $0x88, $3  }
0x1: {  	(tag) =	ssettag $0x0;
	lr =	simm.s32 $0x1  }
0x2: {  	[smem:$0x3F8F] =	sst lr;
	_ =	strace $0xD0000000  }
0x3: {  	_ = 	snop  }
0x4: {  	_ = 	snop  }
0x5: {  	_ = 	snop  }
0x6: {  	_ = 	snop  }
0x7: {  	_ = 	snop  }
__scs_overlays_trampoline_lowered:
0x8: {  	[smem:$0x3F9E] =	sst s0  }
0x9: {  	[smem:$0x3F9F] =	sst s1  }
0xa: {  	[smem:$0x3FA0] =	sst s2  }
0xb: {  	[smem:$0x3FA1] =	sst s3  }
0xc: {  	[smem:$0x3FA2] =	sst s4  }
0xd: {  	[smem:$0x3FA3] =	sst s5  }
0xe: {  	[smem:$0x3FA4] =	sst s6  }
0xf: {  	[smem:$0x3FA5] =	sst s7  }
0x10: {  	[smem:$0x3FA6] =	sst s8  }
0x11: {  	[smem:$0x3FA7] =	sst s9;
	s0 =	simm.s32 @!p0 $0x0  }
0x12: {  	s1 =	sld [smem:$0x3F8D];
	s0 =	simm.s32 @p0 $0x1  }
0x13: {  	[smem:$0x3FA8] =	sst s0;
	s0 =	simm.s32 @!p1 $0x0  }
0x14: {  	s2 =	sld [smem:$0x3F8C];
	s0 =	simm.s32 @p1 $0x1  }
0x15: {  	[smem:$0x3FA9] =	sst s0;
	s0 =	simm.s32 @!p2 $0x0  }
0x16: {  	s3 =	sld [smem:$0x3FDB];
	s0 =	simm.s32 @p2 $0x1  }
0x17: {  	s4 =	simm.s32 $0x1BF5;
	[smem:$0x3FAB] =	sst s0  }
0x18: {  	s0 =	sld [smem:$0x3F8E];
	_ =	swait.ge [sflag:s4], $0x0  }
0x19: {  	s7 =	sld [smem:$0x3F8F]  }
0x1a: {  	s8 =	sadd.s32 $0xFFFFE003, lr  }
0x1b: {  	s9 =	sadd.s32 $0xFFFFFEF7, lr;
	s5 =	simm.s32 $0xFFFFFFFF;
	p2 =	slt.u32 s8, $0xFFFFF086  }
0x1c: {  	p1 =	slt.u32 s9, $0xF7A;
	s5 =	simm.s32 @!p2 $0x0  }
0x1d: {  	s5 =	simm.s32 @p1 $0x1;
	p0 =	seq.s32 s7, s2  }
0x1e: {  	s7 =	smul.u32 @!p0 $0xF7A, s2;
	p2 =	seq.s32 @!p0 s5, $0x0  }
0x1f: {  	s9 =	smul.u32 $0xF7A, s1;
	s8 =	simm.s32 @!p0 $0x1BF5;
	p2 =	por !p2, p0  }
0x20: {  	[sflag:s8] =	ssyncset.s32 @!p0 $0xFFFFF086;
	s6 =	sadd.s32 @!p0 s3, s7;
	s7 =	simm.s32 @!p0 $0x108  }
0x21: {  	s3 =	sadd.s32 s3, s9;
	s6 =	sadd.s32 @!p0 $0x88, s6;
	s7 =	simm.s32 @p2 $0x1082  }
0x22: {  	[simem:s7], [sflag:s8] =	dma.local @!p0 [hbm:s6], $0xF7A  }
0x23: {  	s9 =	sor.u32 $0xD0000000, s2;
	s6 =	simm.s32 $0x108;
	_ =	swait.ge @!p0 [sflag:s8], $0x0  }
0x24: {  	s3 =	sadd.s32 $0x88, s3;
	s6 =	simm.s32 @!p1 $0x1082;
	[sflag:s4] =	ssyncset.s32 $0xFFFFF086  }
0x25: {  	[simem:s6], [sflag:s4] =	dma.local [hbm:s3], $0xF7A  }
0x26: {  	[smem:$0x3F8F] =	sst s1;
	(tag) =	ssettag s2;
	_ =	strace s9  }
0x27: {  	s1 =	sld [smem:$0x3F9F]  }
0x28: {  	s2 =	sld [smem:$0x3FA0]  }
0x29: {  	s4 =	sld [smem:$0x3FA2]  }
0x2a: {  	p0 =	seq.s32 s5, $0x0;
	s5 =	sld [smem:$0x3FA3]  }
0x2b: {  	s6 =	sld [smem:$0x3FA4]  }
0x2c: {  	s7 =	sld [smem:$0x3FA5]  }
0x2d: {  	s3 =	simm.s32 $0x108;
	s8 =	sld [smem:$0x3FA6]  }
0x2e: {  	s3 =	simm.s32 @!p0 $0x1082;
	s9 =	sld [smem:$0x3FA7]  }
0x2f: {  	lr =	sadd.s32 s0, s3;
	s0 =	sld [smem:$0x3F9E]  }
0x30: {  	s3 =	sld [smem:$0x3FA1]  }
0x31: {  	[smem:$0x3FAA] =	sst s10  }
0x32: {  	s10 =	sld [smem:$0x3FA8];
	_ =	sdelay $0x3  }
0x33: {  	p0 =	seq.s32 s10, $0x1;
	s10 =	sld [smem:$0x3FAA];
	_ =	sdelay $0x3  }
0x34: {  	[smem:$0x3FAA] =	sst s10  }
0x35: {  	s10 =	sld [smem:$0x3FA9];
	_ =	sdelay $0x3  }
0x36: {  	p1 =	seq.s32 s10, $0x1;
	s10 =	sld [smem:$0x3FAA];
	_ =	sdelay $0x3  }
0x37: {  	[smem:$0x3FAA] =	sst s10  }
0x38: {  	s10 =	sld [smem:$0x3FAB]  }
0x39: {  	_ = 	snop;
	(pc) =	sbr.ind lr, $3  }
0x3a: {  	_ = 	snop  }
0x3b: {  	_ = 	snop  }
0x3c: {  	p2 =	seq.s32 s10, $0x1;
	s10 =	sld [smem:$0x3FAA]  }
0x3d: {  	_ =	shalt  }
0x3e: {  	_ =	shalt  }
0x3f: {  	_ =	shalt  }
0x40: {  	_ =	shalt  }
0x41: {  	_ =	shalt  }
0x42: {  	_ =	shalt  }
0x43: {  	_ =	shalt  }
0x44: {  	_ =	shalt  }
0x45: {  	_ =	shalt  }
0x46: {  	_ =	shalt  }
0x47: {  	_ =	shalt  }
0x48: {  	_ =	shalt  }
0x49: {  	_ =	shalt  }
0x4a: {  	_ =	shalt  }
0x4b: {  	_ =	shalt  }
0x4c: {  	_ =	shalt  }
0x4d: {  	_ =	shalt  }
0x4e: {  	_ =	shalt  }
0x4f: {  	_ =	shalt  }
0x50: {  	_ =	shalt  }
0x51: {  	_ =	shalt  }
0x52: {  	_ =	shalt  }
0x53: {  	_ =	shalt  }
0x54: {  	_ =	shalt  }
0x55: {  	_ =	shalt  }
0x56: {  	_ =	shalt  }
0x57: {  	_ =	shalt  }
0x58: {  	_ =	shalt  }
0x59: {  	_ =	shalt  }
0x5a: {  	_ =	shalt  }
0x5b: {  	_ =	shalt  }
0x5c: {  	_ =	shalt  }
0x5d: {  	_ =	shalt  }
0x5e: {  	_ =	shalt  }
0x5f: {  	_ =	shalt  }
0x60: {  	_ =	shalt  }
0x61: {  	_ =	shalt  }
0x62: {  	_ =	shalt  }
0x63: {  	_ =	shalt  }
0x64: {  	_ =	shalt  }
0x65: {  	_ =	shalt  }
0x66: {  	_ =	shalt  }
0x67: {  	_ =	shalt  }
0x68: {  	_ =	shalt  }
0x69: {  	_ =	shalt  }
0x6a: {  	_ =	shalt  }
0x6b: {  	_ =	shalt  }
0x6c: {  	_ =	shalt  }
0x6d: {  	_ =	shalt  }
0x6e: {  	_ =	shalt  }
0x6f: {  	_ =	shalt  }
0x70: {  	_ =	shalt  }
0x71: {  	_ =	shalt  }
0x72: {  	_ =	shalt  }
0x73: {  	_ =	shalt  }
0x74: {  	_ =	shalt  }
0x75: {  	_ =	shalt  }
0x76: {  	_ =	shalt  }
0x77: {  	_ =	shalt  }
0x78: {  	_ =	shalt  }
0x79: {  	_ =	shalt  }
0x7a: {  	_ =	shalt  }
0x7b: {  	_ =	shalt  }
0x7c: {  	_ =	shalt  }
0x7d: {  	_ =	shalt  }
0x7e: {  	_ =	shalt  }
0x7f: {  	_ =	shalt  }
0x80: {  	_ =	shalt  }
0x81: {  	_ =	shalt  }
0x82: {  	_ =	shalt  }
0x83: {  	_ =	shalt  }
0x84: {  	_ =	shalt  }
0x85: {  	_ =	shalt  }
0x86: {  	_ =	shalt  }
0x87: {  	_ =	shalt  }
.Lfunc_end0:
.L_simem_size_0:
called_computation.1_lowered:
.L_overlay_start_0:
0x88: {  	s2 =	sld [smem:$0x3FD9]  }
0x89: {  	s3 =	sld [smem:$0x3FFE];
	_ =	sdelay $0x1  }
0x8a: {  	s1 =	srdreg.scid  }
0x8b: {  	s0 =	sand.u32 $0x1, s1  }
0x8c: {  	s14 =	sshll.u32 s0, $0xA;
	s2 =	sadd.s32 s3, s2  }
0x8d: {  	s2 =	sadd.s32 s2, s14  }
0x8e: {  	[smem:$0x3FB6] =	sst s2  }
0x8f: {  	_ = 	snop  }
0x90: {  	s2 =	sld [smem:$0x3FD0];
	_ =	sdelay $0x2  }
0x91: {  	s15 =	simm.s32 $0xB;
	s4 =	simm.s32 $0x10  }
0x92: {  	[smem:s4], [sflag:s15] =	dma.local [hbm:s2], $0x1  }
0x93: {  	_ =	swait.eq [sflag:s15], $0x1  }
0x94: {  	[sflag:s15] =	ssyncset.done $0x0  }
0x95: {  	[sflag:s15] =	ssyncadd.s32 $0xFFFFFFFF  }
0x96: {  	s16 =	sld [smem:$0x11];
	(tm) =	ssettm $0x1  }
0x97: {  	s17 =	sld [smem:$0x3FFB];
	_ =	sdelay $0x3  }
0x98: {  	_ =	strace s17  }
0x99: {  	s3 =	sld [smem:$0x3FFC];
	_ =	sdelay $0x3  }
0x9a: {  	_ =	strace s3  }
0x9b: {  	s3 =	sld [smem:$0x3FFD];
	_ =	sdelay $0x3  }
0x9c: {  	_ =	strace s3  }
0x9d: {  	_ =	strace $0x8FFFFFFF  }
0x9e: {  	s18 =	sld [smem:$0x3FDB];
	_ =	sdelay $0x1  }
0x9f: {  	s19 =	simm.s32 $_scs_section_size  }
0xa0: {  	s5 =	simm.s32 $_size__tile_overlayer_lowered;
	s6 =	simm.s32 $_tile_overlayer_lowered  }
0xa1: {  	s22 =	simm.s32 $0x1BFF;
	s21 =	sshll.u32 s6, $0x1;
	s3 =	sadd.s32 s19, s18  }
0xa2: {  	s7 =	simm.s32 $0x0;
	s20 =	sshll.u32 s5, $0x1;
	s5 =	sadd.s32 s21, s3  }
0xa3: {  	[timem:s7], [sflag:s22] =	dma.local [hbm:s5], s20  }
0xa4: {  	_ =	swait.ge [sflag:s22], s20  }
0xa5: {  	s4 =	ssub.s32 $0x0, s20;
	[sflag:s22] =	ssyncset.done $0x0  }
0xa6: {  	[sflag:s22] =	ssyncadd.s32 s4;
	_ =	sdelay $0x1  }
0xa7: {  	s23 =	simm.s32 $0x1B8B  }
0xa8: {  	_ =	swait.ge [sflag:s23], $0x1  }
0xa9: {  	[sflag:s23] =	ssyncset.done $0x0  }
0xaa: {  	s25 =	simm.s32 $0x1B8E;
	s24 =	sld [smem:$0x3FFE];
	[sflag:s23] =	ssyncadd.s32 $0xFFFFFFFF  }
0xab: {  	s26 =	simm.s32 $execute0_lowered;
	[smem:$0x3FD2] =	sst s25  }
0xac: {  	s5 =	sshll.u32 s26, $0x1;
	_ =	strace $0x80000046;
	[dreg:$0x1] =	wrdreg $0xFFFFFFFF  }
0xad: {  	s28 =	simm.s32 $_size_execute0_lowered;
	s3 =	sadd.s32 s3, s5;
	[dreg:$0x0] =	wrdreg $0x0  }
0xae: {  	s5 =	sshll.u32 s28, $0x1;
	[dreg:$0x2] =	wrdreg s3  }
0xaf: {  	[dreg:$0x3] =	wrdreg s5  }
0xb0: {  	[dreg:$0x4] =	wrdreg $0xC0  }
0xb1: {  	_ =	task [dreg:s7], $0x5FFFF  }
0xb2: {  	[dreg:$0x1] =	wrdreg $0xFFFFFFFF  }
0xb3: {  	[dreg:$0x0] =	wrdreg $0x60  }
0xb4: {  	[dreg:$0x2] =	wrdreg s24  }
0xb5: {  	[dreg:$0x3] =	wrdreg s16  }
0xb6: {  	[dreg:$0x4] =	wrdreg $0x9  }
0xb7: {  	_ =	task.clear_ibuf [dreg:s7], $0x5FFFF;
	_ =	strace $0x90000046  }
0xb8: {  	s29 =	simm.s32 $0x9;
	_ =	strace $0x80000048  }
0xb9: {  	_ =	swait.ge [sflag:s29], $0x1  }
0xba: {  	[sflag:s29] =	ssyncadd.s32 $0xFFFFFFFF  }
0xbb: {  	_ =	strace $0x90000048  }
0xbc: {  	_ =	sfence  }
0xbd: {  	s30 =	sld [smem:$0x0];
	_ =	sdelay $0x2  }
0xbe: {  	s31 =	sshll.u32 s1, $0xD;
	s1 =	sshrl.u32 s1, $0x2  }
0xbf: {  	s3 =	sand.u32 $0x4000, s31;
	s1 =	sadd.s32 s1, s30  }
0xc0: {  	s0 =	sor.u32 s3, s0;
	s1 =	sshll.u32 s1, $0x11  }
0xc1: {  	s0 =	sor.u32 s1, s0  }
0xc2: {  	s0 =	sadd.s32 $0x8F2B, s0  }
0xc3: {  	[sflag:s0] =	ssyncadd.remote.s32 $0x1  }
0xc4: {  	_ =	sfence.sel $0xFFFF  }
0xc5: {  	[dreg:$0x0] =	wrdreg $0xFFFFFFFF;
	(pc) =	sbr.abs _section_cstart, $3  }
0xc6: {  	[dreg:$0x1] =	wrdreg $0xFFFFFFFF  }
0xc7: {  	_ =	task.clear_ibuf [dreg:s7], $0x2FFFF;
	_ =	strace $0x9FFFFFFF  }
0xc8: {  	(tm) =	ssettm $0x7FFFFFFF  }
0xc9: {  	_ =	shalt  }
tec
execute0_lowered:
.L_overlay_start_1:
0x0: {  	(tag) =	ssettag $0x1  }
0x1: {  	s7 =	rddreg [dreg:$0x0]  }
0x2: {  	s2 =	rddreg [dreg:$0x1]  }
0x3: {  	s0 =	rddreg [dreg:$0x2]  }
0x4: {  	s1 =	srdreg.scid;
	_ =	strace $0x80000047;
	s4 =	simm.s32 $0x1  }
0x5: {  	s9 =	simm.s32 $0x3;
	s11 =	simm.s32 $0x0;
	s5 =	sshll.u32 s1, $0x4  }
.Ltmp0:
0x6: {  	s1 =	stileid.u32;
	s5 =	sand.u32 $0x10, s5;
	(pc) =	sbr.rel .LBB2_1-.Ltmp0, $4  }
0x7: {  	p0 =	por $0x0, $0x0;
	s3 =	sadd.s32 $0x4200, s7;
	s6 =	sor.u32 s1, s5  }
0x8: {  	[sflag:s4] =	ssyncpa.u1 $0x0;
	s5 =	simm.s32 $0x2;
	s6 =	sshll.u32 s6, $0x9  }
0x9: {  	s7 =	sadd.s32 $0x33C00, s7;
	[sflag:s5] =	ssyncpa.u1 $0x0;
	s8 =	sadd.s32 $0x200, s6  }
0xa: {  	vm0 =	vmmov $0xff;
	vm1 =	vcmask $0x3F20;
	[sflag:s9] =	ssyncpa.u1 $0x0;
	s10 =	smov.u32 s6;
	s9 =	simm.s32 $0x0  }
.LBB2_7:
0xb: {  	p1 =	slt.u32 s9, $0x2;
	s11 =	sadd.s32 $0x100, s10  }
0xc: {  	s13 =	smov.u32 s6;
	s9 =	sadd.s32 $0x1, s9;
	p2 =	slt.s32 s11, s8  }
0xd: {  	s13 =	smov.u32 @p2 s11;
	p2 =	sne.s32 s9, $0x4  }
.Ltmp1:
0xe: {  	_ = 	snop;
	(pc) =	sbr.rel @!p2 .LBB2_8-.Ltmp1, $4  }
0xf: {  	s12 =	simm.s32 @!p1 $0x3  }
0x10: {  	_ =	swait.ge @!p1 [sflag:s12], $0x8000  }
0x11: {  	p0 =	por !p0, !p0;
	[sflag:s12] =	ssyncset.done @!p1 $0x0  }
0x12: {  	s11 =	smov.u32 s10;
	s10 =	smov.u32 s13;
	[sflag:s12] =	ssyncadd.s32 @!p1 $0xFFFF8000  }
.LBB2_1:
0x13: {  	p1 =	sgt.u32 s9, $0x1  }
0x14: {  	s12 =	sshll.u32 @!p1 s9, $0x8;
	s13 =	sshrl.u32 @!p1 s10, $0x3  }
0x15: {  	s14 =	sand.u32 @!p1 $0x7, s10;
	s12 =	sxor.u32 @!p1 $0x100, s12;
	s13 =	sadd.s32 @!p1 s2, s13  }
0x16: {  	[tilespmem:s12], [sflag:$0x2] =	stream.linear.gather @!p1 [hbm4b:s13+s14], $0x100, $0x38;
	[tilespmem:$0x10200] =	vst v63  }
0x17: {  	p1 =	seq.s32 s9, $0x0  }
0x18: {  	p2 =	seq.s32 @!p1 s9, $0x3  }
0x19: {  	p1 =	por p1, p2  }
.Ltmp2:
0x1a: {  	_ = 	snop;
	(pc) =	sbr.rel @p1 .LBB2_7-.Ltmp2, $1  }
0x1b: {  	_ =	sdelay $0x3  }
0x1c: {  	s12 =	simm.s32 $0x1  }
0x1d: {  	_ =	swait.ge [sflag:s5], $0x100;
	s12 =	simm.s32 @!p0 $0x0  }
0x1e: {  	[sflag:s5] =	ssyncset.done $0x0;
	s14 =	sshll.u32 s12, $0x8  }
0x1f: {  	[sflag:s5] =	ssyncadd.s32 $0xFFFFFF00;
	s13 =	sadd.s32 $0x0, s14  }
0x20: {  	v0 =	vld.msk [tilespmem:s13+$0x0 ss:$0x1], $0xffff;
	_ =	sdelay $0x4  }
0x21: {  	vm2 =	vgt.s32 v0, $0x0  }
0x22: {  	v0 =	vnsel vm2, $0x0, v0  }
0x23: {  	v0 =	vmin.u32 v0, $0x2EDF  }
0x24: {  	v0 =	vshll.u32 v0, $0x4;
	_ =	sdelay $0x2  }
0x25: {  	s12 =	sshll.u32 s12, $0xF  }
0x26: {  	s12 =	sor.u32 $0x200, s12  }
0x27: {  	[tilespmem:s12], [sflag:$0x1] =	stream.indirect_vreg.gather [hbm:s3], $0x80, v0, vm0, $0x38;
	[tilespmem:$0x10200] =	vst v63  }
0x28: {  	s15 =	sadd.s32 $0x10, s14;
	s13 =	sadd.s32 $0x400, s12  }
0x29: {  	[tilespmem:s13], [sflag:$0x1] =	stream.indirect_vreg.gather [hbm:s3], $0x80, v0, vm1, $0x38;
	[tilespmem:$0x10200] =	vst v63  }
0x2a: {  	s16 =	simm.s32 $0x80;
	v0 =	vld.msk [tilespmem:s15+$0x0 ss:$0x1], $0xffff;
	s15 =	smov.u32 s12  }
.LBB2_3:
0x2b: {  	p1 =	sne.s32 s16, $0x3C0;
	_ =	sdelay $0x4  }
0x2c: {  	vm2 =	vgt.s32 v0, $0x0  }
0x2d: {  	v0 =	vnsel vm2, $0x0, v0  }
0x2e: {  	v0 =	vmin.u32 v0, $0x2EDF  }
0x2f: {  	v0 =	vshll.u32 v0, $0x4;
	_ =	sdelay $0x3  }
.Ltmp3:
0x30: {  	s17 =	sshra.s32 s16, $0x2;
	s15 =	sadd.s32 $0x800, s15;
	(pc) =	sbr.rel @p1 .LBB2_3-.Ltmp3, $4  }
0x31: {  	[tilespmem:s15], [sflag:$0x1] =	stream.indirect_vreg.gather [hbm:s3], $0x80, v0, vm0, $0x38;
	[tilespmem:$0x10200] =	vst v63  }
0x32: {  	s17 =	sadd.s32 s17, s14;
	s18 =	sadd.s32 $0x400, s15  }
0x33: {  	[tilespmem:s18], [sflag:$0x1] =	stream.indirect_vreg.gather [hbm:s3], $0x80, v0, vm1, $0x38;
	[tilespmem:$0x10200] =	vst v63  }
0x34: {  	s16 =	sadd.s32 $0x40, s16;
	v0 =	vld.msk [tilespmem:s17+$0x0 ss:$0x1], $0xffff  }
0x35: {  	_ =	sdelay $0x3  }
0x36: {  	vm2 =	vgt.s32 v0, $0x0  }
0x37: {  	v0 =	vnsel vm2, $0x0, v0  }
0x38: {  	v0 =	vmin.u32 v0, $0x2EDF  }
0x39: {  	v0 =	vshll.u32 v0, $0x4;
	_ =	sdelay $0x3  }
0x3a: {  	s14 =	sadd.s32 $0x800, s15  }
0x3b: {  	[tilespmem:s14], [sflag:$0x1] =	stream.indirect_vreg.gather [hbm:s3], $0x80, v0, vm0, $0x38;
	[tilespmem:$0x10200] =	vst v63  }
0x3c: {  	s14 =	sadd.s32 $0x400, s14  }
0x3d: {  	[tilespmem:s14], [sflag:$0x1] =	stream.indirect_vreg.gather [hbm:s3], $0x80, v0, vm1, $0x38;
	[tilespmem:$0x10200] =	vst v63  }
0x3e: {  	s11 =	sshll.u32 s11, $0x4;
	_ =	swait.ge [sflag:s4], $0x8000  }
0x3f: {  	s11 =	sadd.s32 s11, s7;
	[sflag:s4] =	ssyncset.done $0x0  }
0x40: {  	s15 =	sadd.s32 $0x0, s11;
	s14 =	simm.s32 $0x80;
	[sflag:s4] =	ssyncadd.s32 $0xFFFF8000  }
.LBB2_5:
0x41: {  	[hbm:s15] =	stream.linear.scatter [tilespmem:s12], [sflag:$0x3], $0x400, $0x38;
	[tilespmem:$0x10200] =	vst v63  }
0x42: {  	s15 =	smov.u32 s14;
	s12 =	smov.u32 s13;
	p1 =	sne.s32 s14, $0xF80  }
.Ltmp4:
0x43: {  	s14 =	sadd.s32 $0x80, s14;
	(pc) =	sbr.rel @p1 .LBB2_5-.Ltmp4, $2  }
0x44: {  	_ =	sdelay $0x2  }
0x45: {  	s13 =	sadd.s32 $0x400, s13;
	s15 =	sadd.s32 s15, s11  }
.Ltmp5:
0x46: {  	(pc) =	sbr.rel .LBB2_7-.Ltmp5, $2  }
0x47: {  	_ =	sdelay $0x2  }
0x48: {  	[hbm:s15] =	stream.linear.scatter [tilespmem:s12], [sflag:$0x3], $0x400, $0x38;
	[tilespmem:$0x10200] =	vst v63  }
.LBB2_8:
0x49: {  	_ =	sfence.sel $0x180000  }
0x4a: {  	s2 =	simm.s32 $0x2;
	[bflag:$0x0] =	sbarrier.arrive $0xFFFF  }
0x4b: {  	s30 =	simm.s32 $0x3;
	[sflag:s2] =	ssyncpa.u1 $0x1  }
0x4c: {  	s31 =	simm.s32 $0x1;
	[sflag:s30] =	ssyncpa.u1 $0x1  }
0x4d: {  	[sflag:s31] =	ssyncpa.u1 $0x1  }
0x4e: {  	p0 =	sne.s32 s1, $0x0;
	_ =	strace $0x90000047  }
0x4f: {  	s0 =	sadd.s32 @!p0 $0x100000, s0;
	[bflag:$0x2] =	sbarrier.arrive $0xFFFF  }
0x50: {  	[sflag:s0] =	ssyncadd.tile.s32 @!p0 $0x1;
	_ =	shalt  }
.Lfunc_end2:
_tile_overlayer_lowered:
.L_overlay_start_2:
0x51: {  	(tag) =	ssettag $0x2  }
0x52: {  	s0 =	rddreg [dreg:$0x0];
	s2 =	stileid.u32  }
0x53: {  	s1 =	rddreg [dreg:$0x1];
	p0 =	sne.s32 s2, $0x0  }
0x54: {  	s3 =	rddreg [dreg:$0x2];
	[bflag:$0x3] =	sbarrier.arrive $0xFFFF;
	s2 =	simm.s32 @!p0 $0x1C01  }
0x55: {  	[timem:s3], [sflag:s2] =	dma.local @!p0 [hbm:s0], s1  }
0x56: {  	s0 =	simm.s32 @!p0 $0x1  }
0x57: {  	_ =	swait.ge @!p0 [sflag:s0], s1  }
0x58: {  	s1 =	ssub.s32 @!p0 $0x0, s1;
	[sflag:s0] =	ssyncset.done @!p0 $0x0  }
0x59: {  	[sflag:s0] =	ssyncadd.s32 @!p0 s1  }
0x5a: {  	[bflag:$0x3] =	sbarrier.arrive $0xFFFF  }
0x5b: {  	_ =	shalt  }

// kernel: sparse-core-data-format-call.cloned.1.call-start
scs
called_computation_lowered:
.L_overlay_start_0:
0x0: {  	s1 =	sld [smem:$0x3FD9]  }
0x1: {  	s2 =	sld [smem:$0x3FFE];
	_ =	sdelay $0x1  }
0x2: {  	s3 =	srdreg.scid  }
0x3: {  	s0 =	sand.u32 $0x1, s3  }
0x4: {  	s17 =	sshll.u32 s0, $0xA;
	s1 =	sadd.s32 s2, s1  }
0x5: {  	s1 =	sadd.s32 s1, s17  }
0x6: {  	[smem:$0x3FB6] =	sst s1  }
0x7: {  	_ = 	snop  }
0x8: {  	(tm) =	ssettm $0x1  }
0x9: {  	s18 =	sld [smem:$0x3FFB];
	_ =	sdelay $0x3  }
0xa: {  	_ =	strace s18  }
0xb: {  	s1 =	sld [smem:$0x3FFC];
	_ =	sdelay $0x3  }
0xc: {  	_ =	strace s1  }
0xd: {  	s1 =	sld [smem:$0x3FFD];
	_ =	sdelay $0x3  }
0xe: {  	_ =	strace s1  }
0xf: {  	_ =	strace $0x8FFFFFFF  }
0x10: {  	s19 =	sld [smem:$0x3FDB];
	_ =	sdelay $0x1  }
0x11: {  	s20 =	simm.s32 $_scs_section_size  }
0x12: {  	s4 =	simm.s32 $_size__tile_overlayer_lowered;
	s5 =	simm.s32 $_tile_overlayer_lowered  }
0x13: {  	s23 =	simm.s32 $0x1BFF;
	s22 =	sshll.u32 s5, $0x1;
	s1 =	sadd.s32 s20, s19  }
0x14: {  	s6 =	simm.s32 $0x0;
	s21 =	sshll.u32 s4, $0x1;
	s4 =	sadd.s32 s22, s1  }
0x15: {  	[timem:s6], [sflag:s23] =	dma.local [hbm:s4], s21  }
0x16: {  	_ =	swait.ge [sflag:s23], s21  }
0x17: {  	s2 =	ssub.s32 $0x0, s21;
	[sflag:s23] =	ssyncset.done $0x0  }
0x18: {  	[sflag:s23] =	ssyncadd.s32 s2;
	_ =	sdelay $0x1  }
0x19: {  	s24 =	simm.s32 $0x1B8B  }
0x1a: {  	_ =	swait.ge [sflag:s24], $0x1  }
0x1b: {  	[sflag:s24] =	ssyncset.done $0x0  }
0x1c: {  	s26 =	simm.s32 $0x1B8E;
	s25 =	sld [smem:$0x3FFE];
	[sflag:s24] =	ssyncadd.s32 $0xFFFFFFFF  }
0x1d: {  	s27 =	simm.s32 $execute0_lowered;
	[smem:$0x3FD2] =	sst s26  }
0x1e: {  	s4 =	sshll.u32 s27, $0x1;
	_ =	strace $0x8000004C;
	[dreg:$0x1] =	wrdreg $0xFFFFFFFF  }
0x1f: {  	s28 =	simm.s32 $_size_execute0_lowered;
	s1 =	sadd.s32 s1, s4;
	[dreg:$0x0] =	wrdreg $0x0  }
0x20: {  	s4 =	sshll.u32 s28, $0x1;
	[dreg:$0x2] =	wrdreg s1  }
0x21: {  	[dreg:$0x3] =	wrdreg s4  }
0x22: {  	[dreg:$0x4] =	wrdreg $0xC0  }
0x23: {  	_ =	task [dreg:s6], $0x5FFFF  }
0x24: {  	[dreg:$0x1] =	wrdreg $0xFFFFFFFF  }
0x25: {  	[dreg:$0x0] =	wrdreg $0x60  }
0x26: {  	[dreg:$0x2] =	wrdreg s25  }
0x27: {  	[dreg:$0x3] =	wrdreg $0x9  }
0x28: {  	_ =	task.clear_ibuf [dreg:s6], $0x4FFFF;
	_ =	strace $0x9000004C  }
0x29: {  	s29 =	simm.s32 $0x9;
	_ =	strace $0x8000004E  }
0x2a: {  	_ =	swait.ge [sflag:s29], $0x1  }
0x2b: {  	[sflag:s29] =	ssyncadd.s32 $0xFFFFFFFF  }
0x2c: {  	_ =	strace $0x9000004E  }
0x2d: {  	_ =	sfence  }
0x2e: {  	s30 =	sld [smem:$0x0];
	_ =	sdelay $0x2  }
0x2f: {  	s31 =	sshll.u32 s3, $0xD;
	s3 =	sshrl.u32 s3, $0x2  }
0x30: {  	s2 =	sand.u32 $0x4000, s31;
	s1 =	sadd.s32 s3, s30  }
0x31: {  	s0 =	sor.u32 s2, s0;
	s1 =	sshll.u32 s1, $0x11  }
0x32: {  	s0 =	sor.u32 s1, s0  }
0x33: {  	s0 =	sadd.s32 $0x8F2B, s0  }
0x34: {  	[sflag:s0] =	ssyncadd.remote.s32 $0x1  }
0x35: {  	_ =	sfence.sel $0xFFFF  }
0x36: {  	[dreg:$0x0] =	wrdreg $0xFFFFFFFF;
	(pc) =	sbr.abs _section_cstart, $3  }
0x37: {  	[dreg:$0x1] =	wrdreg $0xFFFFFFFF  }
0x38: {  	_ =	task.clear_ibuf [dreg:s6], $0x2FFFF;
	_ =	strace $0x9FFFFFFF  }
0x39: {  	(tm) =	ssettm $0x7FFFFFFF  }
tec
execute0_lowered:
.L_overlay_start_1:
0x0: {  	(tag) =	ssettag $0x1  }
0x1: {  	s0 =	stileid.u32;
	s1 =	srdreg.scid  }
0x2: {  	s3 =	rddreg [dreg:$0x0];
	s5 =	simm.s32 $0x1;
	s8 =	simm.s32 $0x2  }
0x3: {  	s13 =	simm.s32 $0x0;
	s2 =	sshll.u32 s0, $0x4;
	s1 =	sshll.u32 s1, $0x8  }
0x4: {  	p0 =	por $0x0, $0x0;
	s9 =	simm.s32 $0x3E000;
	s1 =	sor.u32 s2, s1  }
0x5: {  	s12 =	simm.s32 $0x0;
	s10 =	simm.s32 $0x0;
	s2 =	sand.u32 $0x180, s1  }
.Ltmp0:
0x6: {  	s1 =	rddreg [dreg:$0x1];
	_ =	strace $0x8000004D;
	(pc) =	sbr.rel .LBB1_1-.Ltmp0, $4  }
0x7: {  	s4 =	sshll.u32 s2, $0x4;
	s6 =	smax.u32 s2, $0x130;
	[sflag:s5] =	ssyncpa.u1 $0x0  }
0x8: {  	s7 =	sadd.s32 s4, s3;
	s3 =	sadd.s32 $0x3B8E00, s3;
	s4 =	sand.u32 $0x7, s0  }
0x9: {  	s6 =	sshll.u32 s6, $0x6;
	[sflag:s8] =	ssyncpa.u1 $0x0;
	s8 =	simm.s32 $0x80  }
0xa: {  	s6 =	sxor.u32 $0x6C00, s6;
	s7 =	sadd.s32 $0x73E00, s7;
	s11 =	smov.u32 s4  }
.LBB1_5:
0xb: {  	s14 =	sadd.s32 $0x8, s11  }
0xc: {  	p1 =	slt.u32 s10, $0x2;
	s10 =	sadd.s32 $0x1, s10;
	p2 =	sgt.s32 s14, $0x1EF  }
0xd: {  	s14 =	smov.u32 @p2 s4;
	p2 =	sne.s32 s10, $0x40  }
.Ltmp1:
0xe: {  	_ = 	snop;
	(pc) =	sbr.rel @!p2 .LBB1_6-.Ltmp1, $4  }
0xf: {  	s13 =	simm.s32 @!p1 $0x2  }
0x10: {  	_ =	swait.ge @!p1 [sflag:s13], $0x2000  }
0x11: {  	s12 =	smov.u32 s11;
	p0 =	por !p0, !p0;
	[sflag:s13] =	ssyncset.done @!p1 $0x0  }
0x12: {  	s11 =	smov.u32 s14;
	[sflag:s13] =	ssyncadd.s32 @!p1 $0xFFFFE000;
	s13 =	smov.u32 s2  }
.LBB1_1:
0x13: {  	p1 =	sgt.u32 s10, $0x3D  }
0x14: {  	p2 =	sgt.s32 @!p1 s11, $0x1EF  }
0x15: {  	s14 =	smov.u32 s11;
	s15 =	sshra.s32 @!p1 s11, $0x1F;
	p2 =	por !p2, p1  }
0x16: {  	s15 =	sand.u32 @!p1 s15, s11;
	s14 =	simm.s32 @p2 $0x1EF  }
0x17: {  	s14 =	ssub.s32 @!p1 s14, s15  }
0x18: {  	s15 =	sadd.s32 @!p1 $0xFFFFFE11, s14  }
0x19: {  	p2 =	sgt.s32 @!p1 s15, $0x0  }
0x1a: {  	s14 =	ssub.s32 @!p1 $0x1F0, s14;
	p2 =	por !p2, p1  }
0x1b: {  	s16 =	smul.u32 @!p1 $0x1B00, s11;
	s14 =	simm.s32 @!p2 $0x0  }
0x1c: {  	s15 =	sxor.u32 @!p1 $0xFFFFFFFF, s10;
	s14 =	smul.u32 @!p1 s14, s6  }
0x1d: {  	s17 =	simm.s32 @!p1 $0x40;
	s18 =	simm.s32 @!p1 $0x80;
	s15 =	sshll.u32 @!p1 s15, $0xD  }
0x1e: {  	s16 =	sadd.s32 @!p1 s16, s7;
	s15 =	sand.u32 @!p1 $0x2000, s15;
	s14 =	sand.u32 @!p1 $0x3FFFFC00, s14  }
0x1f: {  	[tilespmem:s15], [sflag:$0x1] =	stream.strided.gather @!p1 [hbm4b:s16+s17], s14, s18, s17, $0x38;
	[tilespmem:$0x8080] =	vst v63  }
0x20: {  	p1 =	seq.s32 s10, $0x0  }
0x21: {  	p2 =	seq.s32 @!p1 s10, $0x3F  }
0x22: {  	p1 =	por p1, p2  }
.Ltmp2:
0x23: {  	_ = 	snop;
	(pc) =	sbr.rel @p1 .LBB1_5-.Ltmp2, $1  }
0x24: {  	_ =	sdelay $0x3  }
0x25: {  	p1 =	sgt.s32 s12, $0x1EF;
	s14 =	smov.u32 s12;
	s15 =	sshra.s32 s12, $0x1F  }
0x26: {  	s14 =	simm.s32 @!p1 $0x1EF;
	s15 =	sand.u32 s15, s12  }
0x27: {  	p1 =	sgt.s32 s13, $0x130;
	s14 =	ssub.s32 s14, s15;
	s15 =	smov.u32 s13  }
0x28: {  	s16 =	sadd.s32 $0xFFFFFE11, s14;
	s15 =	simm.s32 @!p1 $0x130  }
0x29: {  	s14 =	ssub.s32 $0x1F0, s14;
	p1 =	sgt.s32 s16, $0x0;
	s15 =	sshll.u32 s15, $0x6  }
0x2a: {  	s14 =	simm.s32 @p1 $0x0;
	s15 =	ssub.s32 $0x6C00, s15  }
0x2b: {  	s14 =	smul.u32 s14, s15;
	_ =	sdelay $0x1  }
0x2c: {  	s15 =	simm.s32 $0x1;
	s14 =	sand.u32 $0x3FFFFFC0, s14  }
0x2d: {  	s15 =	simm.s32 @!p0 $0x0;
	_ =	swait.ge [sflag:s5], s14  }
0x2e: {  	s28 =	sshll.u32 s15, $0xD;
	s14 =	ssub.s32 $0x0, s14;
	[sflag:s5] =	ssyncset.done $0x0  }
0x2f: {  	s18 =	sor.u32 $0x20, s28;
	[sflag:s5] =	ssyncadd.s32 s14  }
0x30: {  	s29 =	smul.u32 $0x8100, s15;
	v3 =	vld [tilespmem:s18+$0x10]  }
0x31: {  	s30 =	sand.u32 $0x1, s10;
	v2 =	vld [tilespmem:s18+$0xFFFFFFF0]  }
0x32: {  	s15 =	smul.u32 $0x8100, s30;
	s14 =	sshrl.u32 s29, $0x2;
	v0 =	vld [tilespmem:s18+$0x0]  }
0x33: {  	s16 =	sor.u32 $0x4000, s14;
	v1 =	vld [tilespmem:s18+$0xFFFFFFE0]  }
0x34: {  	s31 =	sshrl.u32 s15, $0x2;
	s15 =	sadd.s32 $0x0, s16  }
0x35: {  	s17 =	simm.s32 $0x4;
	s14 =	sor.u32 $0x4000, s31;
	s18 =	sadd.s32 $0x40, s18;
	[tilespmem:s15+$0x1830 ss:$0x81] =	vst.msk $0xffff, v3  }
.LBB1_3:
0x36: {  	v3 =	vld [tilespmem:s18+$0x10];
	p1 =	sne.s32 s17, $0x1FC;
	[tilespmem:s15+$0x810 ss:$0x81] =	vst.msk $0xffff, v2;
	s19 =	smov.u32 s17;
	s17 =	sadd.s32 $0x4, s17  }
.Ltmp3:
0x37: {  	v2 =	vld [tilespmem:s18+$0xFFFFFFF0];
	[tilespmem:s15+$0x1020 ss:$0x81] =	vst.msk $0xffff, v0;
	(pc) =	sbr.rel @p1 .LBB1_3-.Ltmp3, $4  }
0x38: {  	v0 =	vld [tilespmem:s18+$0x0];
	[tilespmem:s15+$0x0 ss:$0x81] =	vst.msk $0xffff, v1  }
0x39: {  	s15 =	sshra.s32 s19, $0x2;
	v1 =	vld [tilespmem:s18+$0xFFFFFFE0]  }
0x3a: {  	s15 =	sadd.s32 s15, s16  }
0x3b: {  	s18 =	sadd.s32 $0x40, s18;
	[tilespmem:s15+$0x1830 ss:$0x81] =	vst.msk $0xffff, v3  }
0x3c: {  	s16 =	sshll.u32 s12, $0x9  }
0x3d: {  	s13 =	sshll.u32 s13, $0x3;
	s17 =	sshll.u32 s12, $0x7;
	s16 =	sand.u32 $0xFFFFF000, s16  }
0x3e: {  	s29 =	sand.u32 $0x200, s17;
	s13 =	sor.u32 s13, s16  }
0x3f: {  	s13 =	sor.u32 s29, s13  }
0x40: {  	s13 =	sshrl.u32 s13, $0x9  }
0x41: {  	s30 =	smulhi.u32 $0x842109, s13;
	_ =	sdelay $0x1  }
0x42: {  	s16 =	smul.u32 $0x1F0, s30  }
.Ltmp4:
0x43: {  	s31 =	sshll.u32 s12, $0x4;
	(pc) =	sbr.rel .LBB1_5-.Ltmp4, $4  }
0x44: {  	[tilespmem:s15+$0x810 ss:$0x81] =	vst.msk $0xffff, v2;
	s12 =	sand.u32 $0x30, s31;
	s13 =	ssub.s32 s13, s16  }
0x45: {  	[tilespmem:s15+$0x1020 ss:$0x81] =	vst.msk $0xffff, v0;
	s12 =	sadd.s32 s3, s12;
	s13 =	sshll.u32 s13, $0x6  }
0x46: {  	[tilespmem:s15+$0x0 ss:$0x81] =	vst.msk $0xffff, v1;
	s12 =	sadd.s32 s13, s12  }
0x47: {  	[hbm4b:s12+s8] =	stream.strided.scatter [tilespmem:s14], [sflag:$0x2], $0x2000, s9, s8, $0x20;
	[tilespmem:$0x8080] =	vst v63  }
.LBB1_6:
0x48: {  	_ =	sfence.sel $0x180000  }
0x49: {  	s2 =	simm.s32 $0x1;
	[bflag:$0x0] =	sbarrier.arrive $0xFFFF  }
0x4a: {  	s31 =	simm.s32 $0x2;
	[sflag:s2] =	ssyncpa.u1 $0x1  }
0x4b: {  	[sflag:s31] =	ssyncpa.u1 $0x1  }
0x4c: {  	p0 =	sne.s32 s0, $0x0;
	_ =	strace $0x9000004D  }
0x4d: {  	s0 =	sadd.s32 @!p0 $0x100000, s1;
	[bflag:$0x2] =	sbarrier.arrive $0xFFFF  }
0x4e: {  	[sflag:s0] =	ssyncadd.tile.s32 @!p0 $0x1;
	_ =	shalt  }
.Lfunc_end1:
_tile_overlayer_lowered:
.L_overlay_start_2:
0x4f: {  	(tag) =	ssettag $0x2  }
0x50: {  	s0 =	rddreg [dreg:$0x0];
	s2 =	stileid.u32  }
0x51: {  	s1 =	rddreg [dreg:$0x1];
	p0 =	sne.s32 s2, $0x0  }
0x52: {  	s3 =	rddreg [dreg:$0x2];
	[bflag:$0x3] =	sbarrier.arrive $0xFFFF;
	s2 =	simm.s32 @!p0 $0x1C01  }
0x53: {  	[timem:s3], [sflag:s2] =	dma.local @!p0 [hbm:s0], s1  }
0x54: {  	s0 =	simm.s32 @!p0 $0x1  }
0x55: {  	_ =	swait.ge @!p0 [sflag:s0], s1  }
0x56: {  	s1 =	ssub.s32 @!p0 $0x0, s1;
	[sflag:s0] =	ssyncset.done @!p0 $0x0  }
0x57: {  	[sflag:s0] =	ssyncadd.s32 @!p0 s1  }
0x58: {  	[bflag:$0x3] =	sbarrier.arrive $0xFFFF  }
0x59: {  	_ =	shalt  }

</sc_bundles>
